<compile_context>
chip_gen: v7x
topology: tpu7x:2x2x1
jax: 0.10.2.dev20260603
libtpu: 0.0.44.dev20260713+nightly
codegen_flags: <defaults>
</compile_context>

<pallas_src>
import functools

import jax
import jax.numpy as jnp
from jax import lax
from jax.experimental import pallas as pl
from jax.experimental.pallas import tpu as pltpu, tpu_sc as plsc

_INFO = plsc.get_sparse_core_info()
_NC = _INFO.num_cores
_NS = _INFO.num_subcores
_NW = _NC * _NS
_L = _INFO.num_lanes

_B = 16384
_D = 64
_V = 1000000
_PER_W = _B // _NW
_CH = 128
_NCHUNK = _PER_W // _CH

_C = 16384
_G = -(-_V // _C)


def _matvec_body(u_idx_ref, wu_ref, wtw_ref, wtk_ref, sw_ref, sk_ref):
    u = wu_ref[u_idx_ref[0] % 8, :]
    u_bf = u.astype(jnp.bfloat16)
    w_bf = wtw_ref[...].astype(jnp.bfloat16)
    k_bf = wtk_ref[...].astype(jnp.bfloat16)
    dims = (((1,), (0,)), ((), ()))
    sw_ref[...] = jax.lax.dot_general(
        u_bf[:_D][None, :], w_bf, dims,
        preferred_element_type=jnp.float32)[0]
    sk_ref[...] = jax.lax.dot_general(
        u_bf[_D:][None, :], k_bf, dims,
        preferred_element_type=jnp.float32)[0]


_matvec_tc = pl.pallas_call(
    _matvec_body,
    grid_spec=pltpu.PrefetchScalarGridSpec(
        num_scalar_prefetch=1,
        grid=(_G,),
        in_specs=[
            pl.BlockSpec((8, 2 * _D), lambda i, uref: (uref[0] // 8, 0)),
            pl.BlockSpec((_D, _C), lambda i, uref: (0, i)),
            pl.BlockSpec((_D, _C), lambda i, uref: (0, i)),
        ],
        out_specs=[
            pl.BlockSpec((_C,), lambda i, uref: (i,)),
            pl.BlockSpec((_C,), lambda i, uref: (i,)),
        ],
    ),
    out_shape=[
        jax.ShapeDtypeStruct((_V,), jnp.float32),
        jax.ShapeDtypeStruct((_V,), jnp.float32),
    ],
)


@functools.partial(
    pl.kernel,
    mesh=plsc.VectorSubcoreMesh(core_axis_name="c", subcore_axis_name="s"),
    compiler_params=pltpu.CompilerParams(
        needs_layout_passes=False, use_tc_tiling_on_sc=False),
    out_type=jax.ShapeDtypeStruct((_NW, _L), jnp.float32),
    scratch_types=[
        pltpu.VMEM((4, _PER_W), jnp.int32),
        pltpu.VMEM((_PER_W,), jnp.float32),
        pltpu.VMEM((_PER_W,), jnp.float32),
        pltpu.VMEM((_PER_W,), jnp.float32),
        pltpu.VMEM((_PER_W,), jnp.float32),
        pltpu.VMEM((_L,), jnp.float32),
        pltpu.SemaphoreType.DMA,
    ],
)
def _score_sc(data_hbm, sw_hbm, sk_hbm, out_hbm,
              idx_all, gwp, gkp, gwn, gkn, sum_v, sem):
    wid = lax.axis_index("s") * _NC + lax.axis_index("c")
    base = wid * _PER_W

    pltpu.sync_copy(data_hbm.at[pl.ds(1, 4), pl.ds(base, _PER_W)], idx_all)

    cps = []
    for c in range(_NCHUNK):
        sl = pl.ds(c * _CH, _CH)
        cps += [
            pltpu.async_copy(sw_hbm.at[idx_all.at[1, sl]], gwp.at[sl], sem),
            pltpu.async_copy(sk_hbm.at[idx_all.at[0, sl]], gkp.at[sl], sem),
            pltpu.async_copy(sw_hbm.at[idx_all.at[3, sl]], gwn.at[sl], sem),
            pltpu.async_copy(sk_hbm.at[idx_all.at[2, sl]], gkn.at[sl], sem),
        ]
    for cp in cps:
        cp.wait()

    one = jnp.float32(1.0)
    two = jnp.float32(2.0)

    def sigmoid(x):
        y = one + jnp.exp(-x)
        r = one / y
        r = r * (two - y * r)
        return r * (two - y * r)

    def jbody(j, total):
        sl = pl.ds(j * _L, _L)
        pos = gwp[sl] + gkp[sl]
        neg = gwn[sl] + gkn[sl]
        return total + sigmoid(pos) - sigmoid(neg)

    total = lax.fori_loop(0, _PER_W // _L, jbody,
                          jnp.zeros((_L,), jnp.float32))

    sum_v[...] = total
    pltpu.sync_copy(sum_v, out_hbm.at[wid])


def kernel(data, W_user, W_writer, W_keywd):
    data = data.astype(jnp.int32)
    u_idx = data[0, 0:1]
    s_w, s_k = _matvec_tc(u_idx, W_user, W_writer.T, W_keywd.T)
    partials = _score_sc(data, s_w, s_k)
    return jnp.sum(partials)

# --- scband reference (transcript-rebuilt; emitter-appended) ---
"""Pipeline reference for scband-gmf-41704132444623 (READ-ONLY COPY).

The authoritative reference and input builder live on the scoring server;
editing this copy changes nothing except your own understanding.
"""

import jax, jax.numpy as jnp
import numpy as np

NUM_USERS = 1000000
NUM_WRITERS = 1000000
NUM_KEYWD = 1000000
LATENT_DIM = 64
BATCH = 16384


def setup_inputs(seed: int = 0) -> dict:
    key = jax.random.key(seed)
    k0, k1, k2, k3 = jax.random.split(key, 4)
    data = jax.random.randint(k0, (5, BATCH), 0, NUM_USERS, dtype=jnp.int64 if jax.config.jax_enable_x64 else jnp.int32)
    W_user = jax.random.normal(k1, (NUM_USERS, 2 * LATENT_DIM), dtype=jnp.float32) * 0.02
    W_writer = jax.random.normal(k2, (NUM_WRITERS, LATENT_DIM), dtype=jnp.float32) * 0.02
    W_keywd = jax.random.normal(k3, (NUM_KEYWD, LATENT_DIM), dtype=jnp.float32) * 0.02
    return {"data": data, "W_user": W_user, "W_writer": W_writer, "W_keywd": W_keywd}


def reference(data, W_user, W_writer, W_keywd):
    # Faithful translation of GMF.forward
    user_embedding = jnp.take(W_user, data[0], axis=0)          # [B, 2*latent]
    writer_embedding = jnp.take(W_writer, data[2], axis=0)      # [B, latent]
    negs_embedding = jnp.take(W_writer, data[4], axis=0)        # [B, latent]
    item_kw_embedding = jnp.take(W_keywd, data[1], axis=0)      # [B, latent]
    negs_kw_embedding = jnp.take(W_keywd, data[3], axis=0)      # [B, latent]
    u0 = user_embedding[0][:, None]                              # [2*latent, 1]
    pos_logits = jnp.concatenate([writer_embedding, item_kw_embedding], axis=1) @ u0  # [B, 1]
    neg_logits = jnp.concatenate([negs_embedding, negs_kw_embedding], axis=1) @ u0    # [B, 1]
    loss = jax.nn.sigmoid(pos_logits) - jax.nn.sigmoid(neg_logits)
    return jnp.sum(loss)

if __name__ == "__main__":
    import jax
    _d = setup_inputs()
    print(jax.jit(kernel)(*tuple(_d.values())))

</pallas_src>

<mosaic_0001>
#map = affine_map<(d0, d1) -> (0, 0)>
#map1 = affine_map<(d0, d1) -> (0)>
module attributes {stable_mosaic.version = 14 : i64} {
  func.func @_score_sc(%arg0: i32, %arg1: i32, %arg2: memref<5x16384xi32, #tpu.memory_space<hbm>>, %arg3: memref<1000000xf32, #tpu.memory_space<hbm>>, %arg4: memref<1000000xf32, #tpu.memory_space<hbm>>, %arg5: memref<32x16xf32, #tpu.memory_space<hbm>>, %arg6: memref<4x512xi32, #tpu.memory_space<vmem>>, %arg7: memref<512xf32, #tpu.memory_space<vmem>>, %arg8: memref<512xf32, #tpu.memory_space<vmem>>, %arg9: memref<512xf32, #tpu.memory_space<vmem>>, %arg10: memref<512xf32, #tpu.memory_space<vmem>>, %arg11: memref<16xf32, #tpu.memory_space<vmem>>, %arg12: memref<!tpu.dma_semaphore, #tpu.memory_space<semaphore_mem>>) attributes {dimension_semantics = [#tpu.dimension_semantics<core_parallel>, #tpu.dimension_semantics<subcore_parallel>], iteration_bounds = array<i64: 2, 16>, scalar_prefetch = 0 : i64, scratch_operands = 7 : i64, tpu.core_type = #tpu.core_type<sc_vector_subcore>, window_params = [{transform_indices = #map}, {transform_indices = #map1}, {transform_indices = #map1}, {transform_indices = #map}]} {
    %mul3A = arith.constant 2 : i32
    %mul3A_0 = arith.muli %arg1, %mul3A : i32
    %add3A = arith.addi %mul3A_0, %arg0 : i32
    %mul3A_1 = arith.constant 512 : i32
    %mul3A_2 = arith.muli %add3A, %mul3A_1 : i32
    "tpu.region"() ({
      %run_scoped3A = tpu.sem_alloc : memref<!tpu.dma_semaphore, #tpu.memory_space<semaphore_mem>>
      %dma_start3A_266 = arith.constant 1 : i32
      %dma_start3A_267 = tpu.memref_slice %arg2[%dma_start3A_266, %mul3A_2] : memref<5x16384xi32, #tpu.memory_space<hbm>> -> memref<4x512xi32, #tpu.memory_space<hbm>>
      %dma_start3A_268 = arith.constant 1 : i32
      %dma_start3A_269 = tpu.memref_slice %arg2[%dma_start3A_268, %mul3A_2] : memref<5x16384xi32, #tpu.memory_space<hbm>> -> memref<4x512xi32, #tpu.memory_space<hbm>>
      tpu.enqueue_dma source(%dma_start3A_269 : memref<4x512xi32, #tpu.memory_space<hbm>>) target(%arg6 : memref<4x512xi32, #tpu.memory_space<vmem>>) target_semaphore(%run_scoped3A : memref<!tpu.dma_semaphore, #tpu.memory_space<semaphore_mem>>)
      %dma_wait3A_270 = arith.constant 1 : i32
      %dma_wait3A_271 = tpu.memref_slice %arg2[%dma_wait3A_270, %mul3A_2] : memref<5x16384xi32, #tpu.memory_space<hbm>> -> memref<4x512xi32, #tpu.memory_space<hbm>>
      %dma_wait3A_272 = arith.constant 1 : i32
      %dma_wait3A_273 = tpu.memref_slice %arg2[%dma_wait3A_272, %mul3A_2] : memref<5x16384xi32, #tpu.memory_space<hbm>> -> memref<4x512xi32, #tpu.memory_space<hbm>>
      tpu.wait_dma2 semaphore(%run_scoped3A : memref<!tpu.dma_semaphore, #tpu.memory_space<semaphore_mem>>) src(%dma_wait3A_273 : memref<4x512xi32, #tpu.memory_space<hbm>>) dst(%arg6 : memref<4x512xi32, #tpu.memory_space<vmem>>)
      tpu.yield
    }) : () -> ()
    %dma_start3A = arith.constant 1 : i32
    %dma_start3A_3 = arith.constant 0 : i32
    %dma_start3A_4 = tpu.memref_slice %arg7[%dma_start3A_3] : memref<512xf32, #tpu.memory_space<vmem>> -> memref<128xf32, #tpu.memory_space<vmem>>
    %dma_start3A_5 = arith.constant 0 : i32
    %dma_start3A_6 = tpu.memref_slice %arg6[%dma_start3A, %dma_start3A_5] : memref<4x512xi32, #tpu.memory_space<vmem>> -> memref<1x128xi32, #tpu.memory_space<vmem>>
    %dma_start3A_7 = tpu.memref_squeeze %dma_start3A_6 : memref<1x128xi32, #tpu.memory_space<vmem>> -> memref<128xi32, #tpu.memory_space<vmem>>
    %dma_start3A_8 = arith.constant 0 : i32
    %dma_start3A_9 = tpu.memref_slice %arg3[%dma_start3A_8] : memref<1000000xf32, #tpu.memory_space<hbm>> -> memref<1000000xf32, #tpu.memory_space<hbm>>
    tpu.enqueue_indirect_dma source(%dma_start3A_9 : memref<1000000xf32, #tpu.memory_space<hbm>>) target(%dma_start3A_4 : memref<128xf32, #tpu.memory_space<vmem>>) offsets(%dma_start3A_7 : memref<128xi32, #tpu.memory_space<vmem>>) semaphore(%arg12 : memref<!tpu.dma_semaphore, #tpu.memory_space<semaphore_mem>>)
    %dma_start3A_10 = arith.constant 0 : i32
    %dma_start3A_11 = arith.constant 0 : i32
    %dma_start3A_12 = tpu.memref_slice %arg8[%dma_start3A_11] : memref<512xf32, #tpu.memory_space<vmem>> -> memref<128xf32, #tpu.memory_space<vmem>>
    %dma_start3A_13 = arith.constant 0 : i32
    %dma_start3A_14 = tpu.memref_slice %arg6[%dma_start3A_10, %dma_start3A_13] : memref<4x512xi32, #tpu.memory_space<vmem>> -> memref<1x128xi32, #tpu.memory_space<vmem>>
    %dma_start3A_15 = tpu.memref_squeeze %dma_start3A_14 : memref<1x128xi32, #tpu.memory_space<vmem>> -> memref<128xi32, #tpu.memory_space<vmem>>
    %dma_start3A_16 = arith.constant 0 : i32
    %dma_start3A_17 = tpu.memref_slice %arg4[%dma_start3A_16] : memref<1000000xf32, #tpu.memory_space<hbm>> -> memref<1000000xf32, #tpu.memory_space<hbm>>
    tpu.enqueue_indirect_dma source(%dma_start3A_17 : memref<1000000xf32, #tpu.memory_space<hbm>>) target(%dma_start3A_12 : memref<128xf32, #tpu.memory_space<vmem>>) offsets(%dma_start3A_15 : memref<128xi32, #tpu.memory_space<vmem>>) semaphore(%arg12 : memref<!tpu.dma_semaphore, #tpu.memory_space<semaphore_mem>>)
    %dma_start3A_18 = arith.constant 3 : i32
    %dma_start3A_19 = arith.constant 0 : i32
    %dma_start3A_20 = tpu.memref_slice %arg9[%dma_start3A_19] : memref<512xf32, #tpu.memory_space<vmem>> -> memref<128xf32, #tpu.memory_space<vmem>>
    %dma_start3A_21 = arith.constant 0 : i32
    %dma_start3A_22 = tpu.memref_slice %arg6[%dma_start3A_18, %dma_start3A_21] : memref<4x512xi32, #tpu.memory_space<vmem>> -> memref<1x128xi32, #tpu.memory_space<vmem>>
    %dma_start3A_23 = tpu.memref_squeeze %dma_start3A_22 : memref<1x128xi32, #tpu.memory_space<vmem>> -> memref<128xi32, #tpu.memory_space<vmem>>
    %dma_start3A_24 = arith.constant 0 : i32
    %dma_start3A_25 = tpu.memref_slice %arg3[%dma_start3A_24] : memref<1000000xf32, #tpu.memory_space<hbm>> -> memref<1000000xf32, #tpu.memory_space<hbm>>
    tpu.enqueue_indirect_dma source(%dma_start3A_25 : memref<1000000xf32, #tpu.memory_space<hbm>>) target(%dma_start3A_20 : memref<128xf32, #tpu.memory_space<vmem>>) offsets(%dma_start3A_23 : memref<128xi32, #tpu.memory_space<vmem>>) semaphore(%arg12 : memref<!tpu.dma_semaphore, #tpu.memory_space<semaphore_mem>>)
    %dma_start3A_26 = arith.constant 2 : i32
    %dma_start3A_27 = arith.constant 0 : i32
    %dma_start3A_28 = tpu.memref_slice %arg10[%dma_start3A_27] : memref<512xf32, #tpu.memory_space<vmem>> -> memref<128xf32, #tpu.memory_space<vmem>>
    %dma_start3A_29 = arith.constant 0 : i32
    %dma_start3A_30 = tpu.memref_slice %arg6[%dma_start3A_26, %dma_start3A_29] : memref<4x512xi32, #tpu.memory_space<vmem>> -> memref<1x128xi32, #tpu.memory_space<vmem>>
    %dma_start3A_31 = tpu.memref_squeeze %dma_start3A_30 : memref<1x128xi32, #tpu.memory_space<vmem>> -> memref<128xi32, #tpu.memory_space<vmem>>
    %dma_start3A_32 = arith.constant 0 : i32
    %dma_start3A_33 = tpu.memref_slice %arg4[%dma_start3A_32] : memref<1000000xf32, #tpu.memory_space<hbm>> -> memref<1000000xf32, #tpu.memory_space<hbm>>
    tpu.enqueue_indirect_dma source(%dma_start3A_33 : memref<1000000xf32, #tpu.memory_space<hbm>>) target(%dma_start3A_28 : memref<128xf32, #tpu.memory_space<vmem>>) offsets(%dma_start3A_31 : memref<128xi32, #tpu.memory_space<vmem>>) semaphore(%arg12 : memref<!tpu.dma_semaphore, #tpu.memory_space<semaphore_mem>>)
    %dma_start3A_34 = arith.constant 1 : i32
    %dma_start3A_35 = arith.constant 128 : i32
    %dma_start3A_36 = tpu.memref_slice %arg7[%dma_start3A_35] : memref<512xf32, #tpu.memory_space<vmem>> -> memref<128xf32, #tpu.memory_space<vmem>>
    %dma_start3A_37 = arith.constant 128 : i32
    %dma_start3A_38 = tpu.memref_slice %arg6[%dma_start3A_34, %dma_start3A_37] : memref<4x512xi32, #tpu.memory_space<vmem>> -> memref<1x128xi32, #tpu.memory_space<vmem>>
    %dma_start3A_39 = tpu.memref_squeeze %dma_start3A_38 : memref<1x128xi32, #tpu.memory_space<vmem>> -> memref<128xi32, #tpu.memory_space<vmem>>
    %dma_start3A_40 = arith.constant 0 : i32
    %dma_start3A_41 = tpu.memref_slice %arg3[%dma_start3A_40] : memref<1000000xf32, #tpu.memory_space<hbm>> -> memref<1000000xf32, #tpu.memory_space<hbm>>
    tpu.enqueue_indirect_dma source(%dma_start3A_41 : memref<1000000xf32, #tpu.memory_space<hbm>>) target(%dma_start3A_36 : memref<128xf32, #tpu.memory_space<vmem>>) offsets(%dma_start3A_39 : memref<128xi32, #tpu.memory_space<vmem>>) semaphore(%arg12 : memref<!tpu.dma_semaphore, #tpu.memory_space<semaphore_mem>>)
    %dma_start3A_42 = arith.constant 0 : i32
    %dma_start3A_43 = arith.constant 128 : i32
    %dma_start3A_44 = tpu.memref_slice %arg8[%dma_start3A_43] : memref<512xf32, #tpu.memory_space<vmem>> -> memref<128xf32, #tpu.memory_space<vmem>>
    %dma_start3A_45 = arith.constant 128 : i32
    %dma_start3A_46 = tpu.memref_slice %arg6[%dma_start3A_42, %dma_start3A_45] : memref<4x512xi32, #tpu.memory_space<vmem>> -> memref<1x128xi32, #tpu.memory_space<vmem>>
    %dma_start3A_47 = tpu.memref_squeeze %dma_start3A_46 : memref<1x128xi32, #tpu.memory_space<vmem>> -> memref<128xi32, #tpu.memory_space<vmem>>
    %dma_start3A_48 = arith.constant 0 : i32
    %dma_start3A_49 = tpu.memref_slice %arg4[%dma_start3A_48] : memref<1000000xf32, #tpu.memory_space<hbm>> -> memref<1000000xf32, #tpu.memory_space<hbm>>
    tpu.enqueue_indirect_dma source(%dma_start3A_49 : memref<1000000xf32, #tpu.memory_space<hbm>>) target(%dma_start3A_44 : memref<128xf32, #tpu.memory_space<vmem>>) offsets(%dma_start3A_47 : memref<128xi32, #tpu.memory_space<vmem>>) semaphore(%arg12 : memref<!tpu.dma_semaphore, #tpu.memory_space<semaphore_mem>>)
    %dma_start3A_50 = arith.constant 3 : i32
    %dma_start3A_51 = arith.constant 128 : i32
    %dma_start3A_52 = tpu.memref_slice %arg9[%dma_start3A_51] : memref<512xf32, #tpu.memory_space<vmem>> -> memref<128xf32, #tpu.memory_space<vmem>>
    %dma_start3A_53 = arith.constant 128 : i32
    %dma_start3A_54 = tpu.memref_slice %arg6[%dma_start3A_50, %dma_start3A_53] : memref<4x512xi32, #tpu.memory_space<vmem>> -> memref<1x128xi32, #tpu.memory_space<vmem>>
    %dma_start3A_55 = tpu.memref_squeeze %dma_start3A_54 : memref<1x128xi32, #tpu.memory_space<vmem>> -> memref<128xi32, #tpu.memory_space<vmem>>
    %dma_start3A_56 = arith.constant 0 : i32
    %dma_start3A_57 = tpu.memref_slice %arg3[%dma_start3A_56] : memref<1000000xf32, #tpu.memory_space<hbm>> -> memref<1000000xf32, #tpu.memory_space<hbm>>
    tpu.enqueue_indirect_dma source(%dma_start3A_57 : memref<1000000xf32, #tpu.memory_space<hbm>>) target(%dma_start3A_52 : memref<128xf32, #tpu.memory_space<vmem>>) offsets(%dma_start3A_55 : memref<128xi32, #tpu.memory_space<vmem>>) semaphore(%arg12 : memref<!tpu.dma_semaphore, #tpu.memory_space<semaphore_mem>>)
    %dma_start3A_58 = arith.constant 2 : i32
    %dma_start3A_59 = arith.constant 128 : i32
    %dma_start3A_60 = tpu.memref_slice %arg10[%dma_start3A_59] : memref<512xf32, #tpu.memory_space<vmem>> -> memref<128xf32, #tpu.memory_space<vmem>>
    %dma_start3A_61 = arith.constant 128 : i32
    %dma_start3A_62 = tpu.memref_slice %arg6[%dma_start3A_58, %dma_start3A_61] : memref<4x512xi32, #tpu.memory_space<vmem>> -> memref<1x128xi32, #tpu.memory_space<vmem>>
    %dma_start3A_63 = tpu.memref_squeeze %dma_start3A_62 : memref<1x128xi32, #tpu.memory_space<vmem>> -> memref<128xi32, #tpu.memory_space<vmem>>
    %dma_start3A_64 = arith.constant 0 : i32
    %dma_start3A_65 = tpu.memref_slice %arg4[%dma_start3A_64] : memref<1000000xf32, #tpu.memory_space<hbm>> -> memref<1000000xf32, #tpu.memory_space<hbm>>
    tpu.enqueue_indirect_dma source(%dma_start3A_65 : memref<1000000xf32, #tpu.memory_space<hbm>>) target(%dma_start3A_60 : memref<128xf32, #tpu.memory_space<vmem>>) offsets(%dma_start3A_63 : memref<128xi32, #tpu.memory_space<vmem>>) semaphore(%arg12 : memref<!tpu.dma_semaphore, #tpu.memory_space<semaphore_mem>>)
    %dma_start3A_66 = arith.constant 1 : i32
    %dma_start3A_67 = arith.constant 256 : i32
    %dma_start3A_68 = tpu.memref_slice %arg7[%dma_start3A_67] : memref<512xf32, #tpu.memory_space<vmem>> -> memref<128xf32, #tpu.memory_space<vmem>>
    %dma_start3A_69 = arith.constant 256 : i32
    %dma_start3A_70 = tpu.memref_slice %arg6[%dma_start3A_66, %dma_start3A_69] : memref<4x512xi32, #tpu.memory_space<vmem>> -> memref<1x128xi32, #tpu.memory_space<vmem>>
    %dma_start3A_71 = tpu.memref_squeeze %dma_start3A_70 : memref<1x128xi32, #tpu.memory_space<vmem>> -> memref<128xi32, #tpu.memory_space<vmem>>
    %dma_start3A_72 = arith.constant 0 : i32
    %dma_start3A_73 = tpu.memref_slice %arg3[%dma_start3A_72] : memref<1000000xf32, #tpu.memory_space<hbm>> -> memref<1000000xf32, #tpu.memory_space<hbm>>
    tpu.enqueue_indirect_dma source(%dma_start3A_73 : memref<1000000xf32, #tpu.memory_space<hbm>>) target(%dma_start3A_68 : memref<128xf32, #tpu.memory_space<vmem>>) offsets(%dma_start3A_71 : memref<128xi32, #tpu.memory_space<vmem>>) semaphore(%arg12 : memref<!tpu.dma_semaphore, #tpu.memory_space<semaphore_mem>>)
    %dma_start3A_74 = arith.constant 0 : i32
    %dma_start3A_75 = arith.constant 256 : i32
    %dma_start3A_76 = tpu.memref_slice %arg8[%dma_start3A_75] : memref<512xf32, #tpu.memory_space<vmem>> -> memref<128xf32, #tpu.memory_space<vmem>>
    %dma_start3A_77 = arith.constant 256 : i32
    %dma_start3A_78 = tpu.memref_slice %arg6[%dma_start3A_74, %dma_start3A_77] : memref<4x512xi32, #tpu.memory_space<vmem>> -> memref<1x128xi32, #tpu.memory_space<vmem>>
    %dma_start3A_79 = tpu.memref_squeeze %dma_start3A_78 : memref<1x128xi32, #tpu.memory_space<vmem>> -> memref<128xi32, #tpu.memory_space<vmem>>
    %dma_start3A_80 = arith.constant 0 : i32
    %dma_start3A_81 = tpu.memref_slice %arg4[%dma_start3A_80] : memref<1000000xf32, #tpu.memory_space<hbm>> -> memref<1000000xf32, #tpu.memory_space<hbm>>
    tpu.enqueue_indirect_dma source(%dma_start3A_81 : memref<1000000xf32, #tpu.memory_space<hbm>>) target(%dma_start3A_76 : memref<128xf32, #tpu.memory_space<vmem>>) offsets(%dma_start3A_79 : memref<128xi32, #tpu.memory_space<vmem>>) semaphore(%arg12 : memref<!tpu.dma_semaphore, #tpu.memory_space<semaphore_mem>>)
    %dma_start3A_82 = arith.constant 3 : i32
    %dma_start3A_83 = arith.constant 256 : i32
    %dma_start3A_84 = tpu.memref_slice %arg9[%dma_start3A_83] : memref<512xf32, #tpu.memory_space<vmem>> -> memref<128xf32, #tpu.memory_space<vmem>>
    %dma_start3A_85 = arith.constant 256 : i32
    %dma_start3A_86 = tpu.memref_slice %arg6[%dma_start3A_82, %dma_start3A_85] : memref<4x512xi32, #tpu.memory_space<vmem>> -> memref<1x128xi32, #tpu.memory_space<vmem>>
    %dma_start3A_87 = tpu.memref_squeeze %dma_start3A_86 : memref<1x128xi32, #tpu.memory_space<vmem>> -> memref<128xi32, #tpu.memory_space<vmem>>
    %dma_start3A_88 = arith.constant 0 : i32
    %dma_start3A_89 = tpu.memref_slice %arg3[%dma_start3A_88] : memref<1000000xf32, #tpu.memory_space<hbm>> -> memref<1000000xf32, #tpu.memory_space<hbm>>
    tpu.enqueue_indirect_dma source(%dma_start3A_89 : memref<1000000xf32, #tpu.memory_space<hbm>>) target(%dma_start3A_84 : memref<128xf32, #tpu.memory_space<vmem>>) offsets(%dma_start3A_87 : memref<128xi32, #tpu.memory_space<vmem>>) semaphore(%arg12 : memref<!tpu.dma_semaphore, #tpu.memory_space<semaphore_mem>>)
    %dma_start3A_90 = arith.constant 2 : i32
    %dma_start3A_91 = arith.constant 256 : i32
    %dma_start3A_92 = tpu.memref_slice %arg10[%dma_start3A_91] : memref<512xf32, #tpu.memory_space<vmem>> -> memref<128xf32, #tpu.memory_space<vmem>>
    %dma_start3A_93 = arith.constant 256 : i32
    %dma_start3A_94 = tpu.memref_slice %arg6[%dma_start3A_90, %dma_start3A_93] : memref<4x512xi32, #tpu.memory_space<vmem>> -> memref<1x128xi32, #tpu.memory_space<vmem>>
    %dma_start3A_95 = tpu.memref_squeeze %dma_start3A_94 : memref<1x128xi32, #tpu.memory_space<vmem>> -> memref<128xi32, #tpu.memory_space<vmem>>
    %dma_start3A_96 = arith.constant 0 : i32
    %dma_start3A_97 = tpu.memref_slice %arg4[%dma_start3A_96] : memref<1000000xf32, #tpu.memory_space<hbm>> -> memref<1000000xf32, #tpu.memory_space<hbm>>
    tpu.enqueue_indirect_dma source(%dma_start3A_97 : memref<1000000xf32, #tpu.memory_space<hbm>>) target(%dma_start3A_92 : memref<128xf32, #tpu.memory_space<vmem>>) offsets(%dma_start3A_95 : memref<128xi32, #tpu.memory_space<vmem>>) semaphore(%arg12 : memref<!tpu.dma_semaphore, #tpu.memory_space<semaphore_mem>>)
    %dma_start3A_98 = arith.constant 1 : i32
    %dma_start3A_99 = arith.constant 384 : i32
    %dma_start3A_100 = tpu.memref_slice %arg7[%dma_start3A_99] : memref<512xf32, #tpu.memory_space<vmem>> -> memref<128xf32, #tpu.memory_space<vmem>>
    %dma_start3A_101 = arith.constant 384 : i32
    %dma_start3A_102 = tpu.memref_slice %arg6[%dma_start3A_98, %dma_start3A_101] : memref<4x512xi32, #tpu.memory_space<vmem>> -> memref<1x128xi32, #tpu.memory_space<vmem>>
    %dma_start3A_103 = tpu.memref_squeeze %dma_start3A_102 : memref<1x128xi32, #tpu.memory_space<vmem>> -> memref<128xi32, #tpu.memory_space<vmem>>
    %dma_start3A_104 = arith.constant 0 : i32
    %dma_start3A_105 = tpu.memref_slice %arg3[%dma_start3A_104] : memref<1000000xf32, #tpu.memory_space<hbm>> -> memref<1000000xf32, #tpu.memory_space<hbm>>
    tpu.enqueue_indirect_dma source(%dma_start3A_105 : memref<1000000xf32, #tpu.memory_space<hbm>>) target(%dma_start3A_100 : memref<128xf32, #tpu.memory_space<vmem>>) offsets(%dma_start3A_103 : memref<128xi32, #tpu.memory_space<vmem>>) semaphore(%arg12 : memref<!tpu.dma_semaphore, #tpu.memory_space<semaphore_mem>>)
    %dma_start3A_106 = arith.constant 0 : i32
    %dma_start3A_107 = arith.constant 384 : i32
    %dma_start3A_108 = tpu.memref_slice %arg8[%dma_start3A_107] : memref<512xf32, #tpu.memory_space<vmem>> -> memref<128xf32, #tpu.memory_space<vmem>>
    %dma_start3A_109 = arith.constant 384 : i32
    %dma_start3A_110 = tpu.memref_slice %arg6[%dma_start3A_106, %dma_start3A_109] : memref<4x512xi32, #tpu.memory_space<vmem>> -> memref<1x128xi32, #tpu.memory_space<vmem>>
    %dma_start3A_111 = tpu.memref_squeeze %dma_start3A_110 : memref<1x128xi32, #tpu.memory_space<vmem>> -> memref<128xi32, #tpu.memory_space<vmem>>
    %dma_start3A_112 = arith.constant 0 : i32
    %dma_start3A_113 = tpu.memref_slice %arg4[%dma_start3A_112] : memref<1000000xf32, #tpu.memory_space<hbm>> -> memref<1000000xf32, #tpu.memory_space<hbm>>
    tpu.enqueue_indirect_dma source(%dma_start3A_113 : memref<1000000xf32, #tpu.memory_space<hbm>>) target(%dma_start3A_108 : memref<128xf32, #tpu.memory_space<vmem>>) offsets(%dma_start3A_111 : memref<128xi32, #tpu.memory_space<vmem>>) semaphore(%arg12 : memref<!tpu.dma_semaphore, #tpu.memory_space<semaphore_mem>>)
    %dma_start3A_114 = arith.constant 3 : i32
    %dma_start3A_115 = arith.constant 384 : i32
    %dma_start3A_116 = tpu.memref_slice %arg9[%dma_start3A_115] : memref<512xf32, #tpu.memory_space<vmem>> -> memref<128xf32, #tpu.memory_space<vmem>>
    %dma_start3A_117 = arith.constant 384 : i32
    %dma_start3A_118 = tpu.memref_slice %arg6[%dma_start3A_114, %dma_start3A_117] : memref<4x512xi32, #tpu.memory_space<vmem>> -> memref<1x128xi32, #tpu.memory_space<vmem>>
    %dma_start3A_119 = tpu.memref_squeeze %dma_start3A_118 : memref<1x128xi32, #tpu.memory_space<vmem>> -> memref<128xi32, #tpu.memory_space<vmem>>
    %dma_start3A_120 = arith.constant 0 : i32
    %dma_start3A_121 = tpu.memref_slice %arg3[%dma_start3A_120] : memref<1000000xf32, #tpu.memory_space<hbm>> -> memref<1000000xf32, #tpu.memory_space<hbm>>
    tpu.enqueue_indirect_dma source(%dma_start3A_121 : memref<1000000xf32, #tpu.memory_space<hbm>>) target(%dma_start3A_116 : memref<128xf32, #tpu.memory_space<vmem>>) offsets(%dma_start3A_119 : memref<128xi32, #tpu.memory_space<vmem>>) semaphore(%arg12 : memref<!tpu.dma_semaphore, #tpu.memory_space<semaphore_mem>>)
    %dma_start3A_122 = arith.constant 2 : i32
    %dma_start3A_123 = arith.constant 384 : i32
    %dma_start3A_124 = tpu.memref_slice %arg10[%dma_start3A_123] : memref<512xf32, #tpu.memory_space<vmem>> -> memref<128xf32, #tpu.memory_space<vmem>>
    %dma_start3A_125 = arith.constant 384 : i32
    %dma_start3A_126 = tpu.memref_slice %arg6[%dma_start3A_122, %dma_start3A_125] : memref<4x512xi32, #tpu.memory_space<vmem>> -> memref<1x128xi32, #tpu.memory_space<vmem>>
    %dma_start3A_127 = tpu.memref_squeeze %dma_start3A_126 : memref<1x128xi32, #tpu.memory_space<vmem>> -> memref<128xi32, #tpu.memory_space<vmem>>
    %dma_start3A_128 = arith.constant 0 : i32
    %dma_start3A_129 = tpu.memref_slice %arg4[%dma_start3A_128] : memref<1000000xf32, #tpu.memory_space<hbm>> -> memref<1000000xf32, #tpu.memory_space<hbm>>
    tpu.enqueue_indirect_dma source(%dma_start3A_129 : memref<1000000xf32, #tpu.memory_space<hbm>>) target(%dma_start3A_124 : memref<128xf32, #tpu.memory_space<vmem>>) offsets(%dma_start3A_127 : memref<128xi32, #tpu.memory_space<vmem>>) semaphore(%arg12 : memref<!tpu.dma_semaphore, #tpu.memory_space<semaphore_mem>>)
    %dma_wait3A = arith.constant 1 : i32
    %dma_wait3A_130 = arith.constant 0 : i32
    %dma_wait3A_131 = tpu.memref_slice %arg7[%dma_wait3A_130] : memref<512xf32, #tpu.memory_space<vmem>> -> memref<128xf32, #tpu.memory_space<vmem>>
    %dma_wait3A_132 = arith.constant 0 : i32
    %dma_wait3A_133 = tpu.memref_slice %arg6[%dma_wait3A, %dma_wait3A_132] : memref<4x512xi32, #tpu.memory_space<vmem>> -> memref<1x128xi32, #tpu.memory_space<vmem>>
    %dma_wait3A_134 = tpu.memref_squeeze %dma_wait3A_133 : memref<1x128xi32, #tpu.memory_space<vmem>> -> memref<128xi32, #tpu.memory_space<vmem>>
    %dma_wait3A_135 = arith.constant 0 : i32
    %dma_wait3A_136 = tpu.memref_slice %arg3[%dma_wait3A_135] : memref<1000000xf32, #tpu.memory_space<hbm>> -> memref<1000000xf32, #tpu.memory_space<hbm>>
    tpu.wait_indirect_dma semaphore(%arg12 : memref<!tpu.dma_semaphore, #tpu.memory_space<semaphore_mem>>) src(%dma_wait3A_136 : memref<1000000xf32, #tpu.memory_space<hbm>>) dst(%dma_wait3A_131 : memref<128xf32, #tpu.memory_space<vmem>>)
    %dma_wait3A_137 = arith.constant 0 : i32
    %dma_wait3A_138 = arith.constant 0 : i32
    %dma_wait3A_139 = tpu.memref_slice %arg8[%dma_wait3A_138] : memref<512xf32, #tpu.memory_space<vmem>> -> memref<128xf32, #tpu.memory_space<vmem>>
    %dma_wait3A_140 = arith.constant 0 : i32
    %dma_wait3A_141 = tpu.memref_slice %arg6[%dma_wait3A_137, %dma_wait3A_140] : memref<4x512xi32, #tpu.memory_space<vmem>> -> memref<1x128xi32, #tpu.memory_space<vmem>>
    %dma_wait3A_142 = tpu.memref_squeeze %dma_wait3A_141 : memref<1x128xi32, #tpu.memory_space<vmem>> -> memref<128xi32, #tpu.memory_space<vmem>>
    %dma_wait3A_143 = arith.constant 0 : i32
    %dma_wait3A_144 = tpu.memref_slice %arg4[%dma_wait3A_143] : memref<1000000xf32, #tpu.memory_space<hbm>> -> memref<1000000xf32, #tpu.memory_space<hbm>>
    tpu.wait_indirect_dma semaphore(%arg12 : memref<!tpu.dma_semaphore, #tpu.memory_space<semaphore_mem>>) src(%dma_wait3A_144 : memref<1000000xf32, #tpu.memory_space<hbm>>) dst(%dma_wait3A_139 : memref<128xf32, #tpu.memory_space<vmem>>)
    %dma_wait3A_145 = arith.constant 3 : i32
    %dma_wait3A_146 = arith.constant 0 : i32
    %dma_wait3A_147 = tpu.memref_slice %arg9[%dma_wait3A_146] : memref<512xf32, #tpu.memory_space<vmem>> -> memref<128xf32, #tpu.memory_space<vmem>>
    %dma_wait3A_148 = arith.constant 0 : i32
    %dma_wait3A_149 = tpu.memref_slice %arg6[%dma_wait3A_145, %dma_wait3A_148] : memref<4x512xi32, #tpu.memory_space<vmem>> -> memref<1x128xi32, #tpu.memory_space<vmem>>
    %dma_wait3A_150 = tpu.memref_squeeze %dma_wait3A_149 : memref<1x128xi32, #tpu.memory_space<vmem>> -> memref<128xi32, #tpu.memory_space<vmem>>
    %dma_wait3A_151 = arith.constant 0 : i32
    %dma_wait3A_152 = tpu.memref_slice %arg3[%dma_wait3A_151] : memref<1000000xf32, #tpu.memory_space<hbm>> -> memref<1000000xf32, #tpu.memory_space<hbm>>
    tpu.wait_indirect_dma semaphore(%arg12 : memref<!tpu.dma_semaphore, #tpu.memory_space<semaphore_mem>>) src(%dma_wait3A_152 : memref<1000000xf32, #tpu.memory_space<hbm>>) dst(%dma_wait3A_147 : memref<128xf32, #tpu.memory_space<vmem>>)
    %dma_wait3A_153 = arith.constant 2 : i32
    %dma_wait3A_154 = arith.constant 0 : i32
    %dma_wait3A_155 = tpu.memref_slice %arg10[%dma_wait3A_154] : memref<512xf32, #tpu.memory_space<vmem>> -> memref<128xf32, #tpu.memory_space<vmem>>
    %dma_wait3A_156 = arith.constant 0 : i32
    %dma_wait3A_157 = tpu.memref_slice %arg6[%dma_wait3A_153, %dma_wait3A_156] : memref<4x512xi32, #tpu.memory_space<vmem>> -> memref<1x128xi32, #tpu.memory_space<vmem>>
    %dma_wait3A_158 = tpu.memref_squeeze %dma_wait3A_157 : memref<1x128xi32, #tpu.memory_space<vmem>> -> memref<128xi32, #tpu.memory_space<vmem>>
    %dma_wait3A_159 = arith.constant 0 : i32
    %dma_wait3A_160 = tpu.memref_slice %arg4[%dma_wait3A_159] : memref<1000000xf32, #tpu.memory_space<hbm>> -> memref<1000000xf32, #tpu.memory_space<hbm>>
    tpu.wait_indirect_dma semaphore(%arg12 : memref<!tpu.dma_semaphore, #tpu.memory_space<semaphore_mem>>) src(%dma_wait3A_160 : memref<1000000xf32, #tpu.memory_space<hbm>>) dst(%dma_wait3A_155 : memref<128xf32, #tpu.memory_space<vmem>>)
    %dma_wait3A_161 = arith.constant 1 : i32
    %dma_wait3A_162 = arith.constant 128 : i32
    %dma_wait3A_163 = tpu.memref_slice %arg7[%dma_wait3A_162] : memref<512xf32, #tpu.memory_space<vmem>> -> memref<128xf32, #tpu.memory_space<vmem>>
    %dma_wait3A_164 = arith.constant 128 : i32
    %dma_wait3A_165 = tpu.memref_slice %arg6[%dma_wait3A_161, %dma_wait3A_164] : memref<4x512xi32, #tpu.memory_space<vmem>> -> memref<1x128xi32, #tpu.memory_space<vmem>>
    %dma_wait3A_166 = tpu.memref_squeeze %dma_wait3A_165 : memref<1x128xi32, #tpu.memory_space<vmem>> -> memref<128xi32, #tpu.memory_space<vmem>>
    %dma_wait3A_167 = arith.constant 0 : i32
    %dma_wait3A_168 = tpu.memref_slice %arg3[%dma_wait3A_167] : memref<1000000xf32, #tpu.memory_space<hbm>> -> memref<1000000xf32, #tpu.memory_space<hbm>>
    tpu.wait_indirect_dma semaphore(%arg12 : memref<!tpu.dma_semaphore, #tpu.memory_space<semaphore_mem>>) src(%dma_wait3A_168 : memref<1000000xf32, #tpu.memory_space<hbm>>) dst(%dma_wait3A_163 : memref<128xf32, #tpu.memory_space<vmem>>)
    %dma_wait3A_169 = arith.constant 0 : i32
    %dma_wait3A_170 = arith.constant 128 : i32
    %dma_wait3A_171 = tpu.memref_slice %arg8[%dma_wait3A_170] : memref<512xf32, #tpu.memory_space<vmem>> -> memref<128xf32, #tpu.memory_space<vmem>>
    %dma_wait3A_172 = arith.constant 128 : i32
    %dma_wait3A_173 = tpu.memref_slice %arg6[%dma_wait3A_169, %dma_wait3A_172] : memref<4x512xi32, #tpu.memory_space<vmem>> -> memref<1x128xi32, #tpu.memory_space<vmem>>
    %dma_wait3A_174 = tpu.memref_squeeze %dma_wait3A_173 : memref<1x128xi32, #tpu.memory_space<vmem>> -> memref<128xi32, #tpu.memory_space<vmem>>
    %dma_wait3A_175 = arith.constant 0 : i32
    %dma_wait3A_176 = tpu.memref_slice %arg4[%dma_wait3A_175] : memref<1000000xf32, #tpu.memory_space<hbm>> -> memref<1000000xf32, #tpu.memory_space<hbm>>
    tpu.wait_indirect_dma semaphore(%arg12 : memref<!tpu.dma_semaphore, #tpu.memory_space<semaphore_mem>>) src(%dma_wait3A_176 : memref<1000000xf32, #tpu.memory_space<hbm>>) dst(%dma_wait3A_171 : memref<128xf32, #tpu.memory_space<vmem>>)
    %dma_wait3A_177 = arith.constant 3 : i32
    %dma_wait3A_178 = arith.constant 128 : i32
    %dma_wait3A_179 = tpu.memref_slice %arg9[%dma_wait3A_178] : memref<512xf32, #tpu.memory_space<vmem>> -> memref<128xf32, #tpu.memory_space<vmem>>
    %dma_wait3A_180 = arith.constant 128 : i32
    %dma_wait3A_181 = tpu.memref_slice %arg6[%dma_wait3A_177, %dma_wait3A_180] : memref<4x512xi32, #tpu.memory_space<vmem>> -> memref<1x128xi32, #tpu.memory_space<vmem>>
    %dma_wait3A_182 = tpu.memref_squeeze %dma_wait3A_181 : memref<1x128xi32, #tpu.memory_space<vmem>> -> memref<128xi32, #tpu.memory_space<vmem>>
    %dma_wait3A_183 = arith.constant 0 : i32
    %dma_wait3A_184 = tpu.memref_slice %arg3[%dma_wait3A_183] : memref<1000000xf32, #tpu.memory_space<hbm>> -> memref<1000000xf32, #tpu.memory_space<hbm>>
    tpu.wait_indirect_dma semaphore(%arg12 : memref<!tpu.dma_semaphore, #tpu.memory_space<semaphore_mem>>) src(%dma_wait3A_184 : memref<1000000xf32, #tpu.memory_space<hbm>>) dst(%dma_wait3A_179 : memref<128xf32, #tpu.memory_space<vmem>>)
    %dma_wait3A_185 = arith.constant 2 : i32
    %dma_wait3A_186 = arith.constant 128 : i32
    %dma_wait3A_187 = tpu.memref_slice %arg10[%dma_wait3A_186] : memref<512xf32, #tpu.memory_space<vmem>> -> memref<128xf32, #tpu.memory_space<vmem>>
    %dma_wait3A_188 = arith.constant 128 : i32
    %dma_wait3A_189 = tpu.memref_slice %arg6[%dma_wait3A_185, %dma_wait3A_188] : memref<4x512xi32, #tpu.memory_space<vmem>> -> memref<1x128xi32, #tpu.memory_space<vmem>>
    %dma_wait3A_190 = tpu.memref_squeeze %dma_wait3A_189 : memref<1x128xi32, #tpu.memory_space<vmem>> -> memref<128xi32, #tpu.memory_space<vmem>>
    %dma_wait3A_191 = arith.constant 0 : i32
    %dma_wait3A_192 = tpu.memref_slice %arg4[%dma_wait3A_191] : memref<1000000xf32, #tpu.memory_space<hbm>> -> memref<1000000xf32, #tpu.memory_space<hbm>>
    tpu.wait_indirect_dma semaphore(%arg12 : memref<!tpu.dma_semaphore, #tpu.memory_space<semaphore_mem>>) src(%dma_wait3A_192 : memref<1000000xf32, #tpu.memory_space<hbm>>) dst(%dma_wait3A_187 : memref<128xf32, #tpu.memory_space<vmem>>)
    %dma_wait3A_193 = arith.constant 1 : i32
    %dma_wait3A_194 = arith.constant 256 : i32
    %dma_wait3A_195 = tpu.memref_slice %arg7[%dma_wait3A_194] : memref<512xf32, #tpu.memory_space<vmem>> -> memref<128xf32, #tpu.memory_space<vmem>>
    %dma_wait3A_196 = arith.constant 256 : i32
    %dma_wait3A_197 = tpu.memref_slice %arg6[%dma_wait3A_193, %dma_wait3A_196] : memref<4x512xi32, #tpu.memory_space<vmem>> -> memref<1x128xi32, #tpu.memory_space<vmem>>
    %dma_wait3A_198 = tpu.memref_squeeze %dma_wait3A_197 : memref<1x128xi32, #tpu.memory_space<vmem>> -> memref<128xi32, #tpu.memory_space<vmem>>
    %dma_wait3A_199 = arith.constant 0 : i32
    %dma_wait3A_200 = tpu.memref_slice %arg3[%dma_wait3A_199] : memref<1000000xf32, #tpu.memory_space<hbm>> -> memref<1000000xf32, #tpu.memory_space<hbm>>
    tpu.wait_indirect_dma semaphore(%arg12 : memref<!tpu.dma_semaphore, #tpu.memory_space<semaphore_mem>>) src(%dma_wait3A_200 : memref<1000000xf32, #tpu.memory_space<hbm>>) dst(%dma_wait3A_195 : memref<128xf32, #tpu.memory_space<vmem>>)
    %dma_wait3A_201 = arith.constant 0 : i32
    %dma_wait3A_202 = arith.constant 256 : i32
    %dma_wait3A_203 = tpu.memref_slice %arg8[%dma_wait3A_202] : memref<512xf32, #tpu.memory_space<vmem>> -> memref<128xf32, #tpu.memory_space<vmem>>
    %dma_wait3A_204 = arith.constant 256 : i32
    %dma_wait3A_205 = tpu.memref_slice %arg6[%dma_wait3A_201, %dma_wait3A_204] : memref<4x512xi32, #tpu.memory_space<vmem>> -> memref<1x128xi32, #tpu.memory_space<vmem>>
    %dma_wait3A_206 = tpu.memref_squeeze %dma_wait3A_205 : memref<1x128xi32, #tpu.memory_space<vmem>> -> memref<128xi32, #tpu.memory_space<vmem>>
    %dma_wait3A_207 = arith.constant 0 : i32
    %dma_wait3A_208 = tpu.memref_slice %arg4[%dma_wait3A_207] : memref<1000000xf32, #tpu.memory_space<hbm>> -> memref<1000000xf32, #tpu.memory_space<hbm>>
    tpu.wait_indirect_dma semaphore(%arg12 : memref<!tpu.dma_semaphore, #tpu.memory_space<semaphore_mem>>) src(%dma_wait3A_208 : memref<1000000xf32, #tpu.memory_space<hbm>>) dst(%dma_wait3A_203 : memref<128xf32, #tpu.memory_space<vmem>>)
    %dma_wait3A_209 = arith.constant 3 : i32
    %dma_wait3A_210 = arith.constant 256 : i32
    %dma_wait3A_211 = tpu.memref_slice %arg9[%dma_wait3A_210] : memref<512xf32, #tpu.memory_space<vmem>> -> memref<128xf32, #tpu.memory_space<vmem>>
    %dma_wait3A_212 = arith.constant 256 : i32
    %dma_wait3A_213 = tpu.memref_slice %arg6[%dma_wait3A_209, %dma_wait3A_212] : memref<4x512xi32, #tpu.memory_space<vmem>> -> memref<1x128xi32, #tpu.memory_space<vmem>>
    %dma_wait3A_214 = tpu.memref_squeeze %dma_wait3A_213 : memref<1x128xi32, #tpu.memory_space<vmem>> -> memref<128xi32, #tpu.memory_space<vmem>>
    %dma_wait3A_215 = arith.constant 0 : i32
    %dma_wait3A_216 = tpu.memref_slice %arg3[%dma_wait3A_215] : memref<1000000xf32, #tpu.memory_space<hbm>> -> memref<1000000xf32, #tpu.memory_space<hbm>>
    tpu.wait_indirect_dma semaphore(%arg12 : memref<!tpu.dma_semaphore, #tpu.memory_space<semaphore_mem>>) src(%dma_wait3A_216 : memref<1000000xf32, #tpu.memory_space<hbm>>) dst(%dma_wait3A_211 : memref<128xf32, #tpu.memory_space<vmem>>)
    %dma_wait3A_217 = arith.constant 2 : i32
    %dma_wait3A_218 = arith.constant 256 : i32
    %dma_wait3A_219 = tpu.memref_slice %arg10[%dma_wait3A_218] : memref<512xf32, #tpu.memory_space<vmem>> -> memref<128xf32, #tpu.memory_space<vmem>>
    %dma_wait3A_220 = arith.constant 256 : i32
    %dma_wait3A_221 = tpu.memref_slice %arg6[%dma_wait3A_217, %dma_wait3A_220] : memref<4x512xi32, #tpu.memory_space<vmem>> -> memref<1x128xi32, #tpu.memory_space<vmem>>
    %dma_wait3A_222 = tpu.memref_squeeze %dma_wait3A_221 : memref<1x128xi32, #tpu.memory_space<vmem>> -> memref<128xi32, #tpu.memory_space<vmem>>
    %dma_wait3A_223 = arith.constant 0 : i32
    %dma_wait3A_224 = tpu.memref_slice %arg4[%dma_wait3A_223] : memref<1000000xf32, #tpu.memory_space<hbm>> -> memref<1000000xf32, #tpu.memory_space<hbm>>
    tpu.wait_indirect_dma semaphore(%arg12 : memref<!tpu.dma_semaphore, #tpu.memory_space<semaphore_mem>>) src(%dma_wait3A_224 : memref<1000000xf32, #tpu.memory_space<hbm>>) dst(%dma_wait3A_219 : memref<128xf32, #tpu.memory_space<vmem>>)
    %dma_wait3A_225 = arith.constant 1 : i32
    %dma_wait3A_226 = arith.constant 384 : i32
    %dma_wait3A_227 = tpu.memref_slice %arg7[%dma_wait3A_226] : memref<512xf32, #tpu.memory_space<vmem>> -> memref<128xf32, #tpu.memory_space<vmem>>
    %dma_wait3A_228 = arith.constant 384 : i32
    %dma_wait3A_229 = tpu.memref_slice %arg6[%dma_wait3A_225, %dma_wait3A_228] : memref<4x512xi32, #tpu.memory_space<vmem>> -> memref<1x128xi32, #tpu.memory_space<vmem>>
    %dma_wait3A_230 = tpu.memref_squeeze %dma_wait3A_229 : memref<1x128xi32, #tpu.memory_space<vmem>> -> memref<128xi32, #tpu.memory_space<vmem>>
    %dma_wait3A_231 = arith.constant 0 : i32
    %dma_wait3A_232 = tpu.memref_slice %arg3[%dma_wait3A_231] : memref<1000000xf32, #tpu.memory_space<hbm>> -> memref<1000000xf32, #tpu.memory_space<hbm>>
    tpu.wait_indirect_dma semaphore(%arg12 : memref<!tpu.dma_semaphore, #tpu.memory_space<semaphore_mem>>) src(%dma_wait3A_232 : memref<1000000xf32, #tpu.memory_space<hbm>>) dst(%dma_wait3A_227 : memref<128xf32, #tpu.memory_space<vmem>>)
    %dma_wait3A_233 = arith.constant 0 : i32
    %dma_wait3A_234 = arith.constant 384 : i32
    %dma_wait3A_235 = tpu.memref_slice %arg8[%dma_wait3A_234] : memref<512xf32, #tpu.memory_space<vmem>> -> memref<128xf32, #tpu.memory_space<vmem>>
    %dma_wait3A_236 = arith.constant 384 : i32
    %dma_wait3A_237 = tpu.memref_slice %arg6[%dma_wait3A_233, %dma_wait3A_236] : memref<4x512xi32, #tpu.memory_space<vmem>> -> memref<1x128xi32, #tpu.memory_space<vmem>>
    %dma_wait3A_238 = tpu.memref_squeeze %dma_wait3A_237 : memref<1x128xi32, #tpu.memory_space<vmem>> -> memref<128xi32, #tpu.memory_space<vmem>>
    %dma_wait3A_239 = arith.constant 0 : i32
    %dma_wait3A_240 = tpu.memref_slice %arg4[%dma_wait3A_239] : memref<1000000xf32, #tpu.memory_space<hbm>> -> memref<1000000xf32, #tpu.memory_space<hbm>>
    tpu.wait_indirect_dma semaphore(%arg12 : memref<!tpu.dma_semaphore, #tpu.memory_space<semaphore_mem>>) src(%dma_wait3A_240 : memref<1000000xf32, #tpu.memory_space<hbm>>) dst(%dma_wait3A_235 : memref<128xf32, #tpu.memory_space<vmem>>)
    %dma_wait3A_241 = arith.constant 3 : i32
    %dma_wait3A_242 = arith.constant 384 : i32
    %dma_wait3A_243 = tpu.memref_slice %arg9[%dma_wait3A_242] : memref<512xf32, #tpu.memory_space<vmem>> -> memref<128xf32, #tpu.memory_space<vmem>>
    %dma_wait3A_244 = arith.constant 384 : i32
    %dma_wait3A_245 = tpu.memref_slice %arg6[%dma_wait3A_241, %dma_wait3A_244] : memref<4x512xi32, #tpu.memory_space<vmem>> -> memref<1x128xi32, #tpu.memory_space<vmem>>
    %dma_wait3A_246 = tpu.memref_squeeze %dma_wait3A_245 : memref<1x128xi32, #tpu.memory_space<vmem>> -> memref<128xi32, #tpu.memory_space<vmem>>
    %dma_wait3A_247 = arith.constant 0 : i32
    %dma_wait3A_248 = tpu.memref_slice %arg3[%dma_wait3A_247] : memref<1000000xf32, #tpu.memory_space<hbm>> -> memref<1000000xf32, #tpu.memory_space<hbm>>
    tpu.wait_indirect_dma semaphore(%arg12 : memref<!tpu.dma_semaphore, #tpu.memory_space<semaphore_mem>>) src(%dma_wait3A_248 : memref<1000000xf32, #tpu.memory_space<hbm>>) dst(%dma_wait3A_243 : memref<128xf32, #tpu.memory_space<vmem>>)
    %dma_wait3A_249 = arith.constant 2 : i32
    %dma_wait3A_250 = arith.constant 384 : i32
    %dma_wait3A_251 = tpu.memref_slice %arg10[%dma_wait3A_250] : memref<512xf32, #tpu.memory_space<vmem>> -> memref<128xf32, #tpu.memory_space<vmem>>
    %dma_wait3A_252 = arith.constant 384 : i32
    %dma_wait3A_253 = tpu.memref_slice %arg6[%dma_wait3A_249, %dma_wait3A_252] : memref<4x512xi32, #tpu.memory_space<vmem>> -> memref<1x128xi32, #tpu.memory_space<vmem>>
    %dma_wait3A_254 = tpu.memref_squeeze %dma_wait3A_253 : memref<1x128xi32, #tpu.memory_space<vmem>> -> memref<128xi32, #tpu.memory_space<vmem>>
    %dma_wait3A_255 = arith.constant 0 : i32
    %dma_wait3A_256 = tpu.memref_slice %arg4[%dma_wait3A_255] : memref<1000000xf32, #tpu.memory_space<hbm>> -> memref<1000000xf32, #tpu.memory_space<hbm>>
    tpu.wait_indirect_dma semaphore(%arg12 : memref<!tpu.dma_semaphore, #tpu.memory_space<semaphore_mem>>) src(%dma_wait3A_256 : memref<1000000xf32, #tpu.memory_space<hbm>>) dst(%dma_wait3A_251 : memref<128xf32, #tpu.memory_space<vmem>>)
    %broadcast_in_dim3A = arith.constant 0.000000e+00 : f32
    %broadcast_in_dim3A_257 = vector.broadcast %broadcast_in_dim3A : f32 to vector<16xf32>
    %scan3A = arith.constant 1.000000e+00 : f32
    %scan3A_258 = arith.constant 2.000000e+00 : f32
    %scan3A_259 = arith.constant 0 : i32
    %scan3A_260 = arith.constant 32 : i32
    %scan3A_261 = arith.addi %scan3A_259, %scan3A_260 : i32
    %scan3A_262 = arith.constant 1 : i32
    %scan3A_263 = scf.for %scan3A_266 = %scan3A_259 to %scan3A_261 step %scan3A_262 iter_args(%scan3A_267 = %broadcast_in_dim3A_257) -> (vector<16xf32>)  : i32 {
      %mul3A_268 = arith.constant 16 : i32
      %mul3A_269 = arith.muli %scan3A_266, %mul3A_268 : i32
      %get3A = arith.index_cast %mul3A_269 : i32 to index
      %get3A_270 = tpu.vector_load %arg7[%get3A] {strides = array<i32>} : memref<512xf32, #tpu.memory_space<vmem>>, vector<16xf32>,
      %get3A_271 = arith.index_cast %mul3A_269 : i32 to index
      %get3A_272 = tpu.vector_load %arg8[%get3A_271] {strides = array<i32>} : memref<512xf32, #tpu.memory_space<vmem>>, vector<16xf32>,
      %add3A_273 = arith.addf %get3A_270, %get3A_272 : vector<16xf32>
      %get3A_274 = arith.index_cast %mul3A_269 : i32 to index
      %get3A_275 = tpu.vector_load %arg9[%get3A_274] {strides = array<i32>} : memref<512xf32, #tpu.memory_space<vmem>>, vector<16xf32>,
      %get3A_276 = arith.index_cast %mul3A_269 : i32 to index
      %get3A_277 = tpu.vector_load %arg10[%get3A_276] {strides = array<i32>} : memref<512xf32, #tpu.memory_space<vmem>>, vector<16xf32>,
      %add3A_278 = arith.addf %get3A_275, %get3A_277 : vector<16xf32>
      %neg3A = arith.constant 0.000000e+00 : f32
      %neg3A_279 = vector.broadcast %neg3A : f32 to vector<16xf32>
      %neg3A_280 = arith.subf %neg3A_279, %add3A_273 : vector<16xf32>
      %exp3A = math.exp %neg3A_280 : vector<16xf32>
      %add3A_281 = vector.broadcast %scan3A : f32 to vector<16xf32>
      %add3A_282 = arith.addf %add3A_281, %exp3A : vector<16xf32>
      %div3A = vector.broadcast %scan3A : f32 to vector<16xf32>
      %div3A_283 = arith.divf %div3A, %add3A_282 : vector<16xf32>
      %mul3A_284 = arith.mulf %add3A_282, %div3A_283 : vector<16xf32>
      %sub3A = vector.broadcast %scan3A_258 : f32 to vector<16xf32>
      %sub3A_285 = arith.subf %sub3A, %mul3A_284 : vector<16xf32>
      %mul3A_286 = arith.mulf %div3A_283, %sub3A_285 : vector<16xf32>
      %mul3A_287 = arith.mulf %add3A_282, %mul3A_286 : vector<16xf32>
      %sub3A_288 = vector.broadcast %scan3A_258 : f32 to vector<16xf32>
      %sub3A_289 = arith.subf %sub3A_288, %mul3A_287 : vector<16xf32>
      %mul3A_290 = arith.mulf %mul3A_286, %sub3A_289 : vector<16xf32>
      %add3A_291 = arith.addf %scan3A_267, %mul3A_290 : vector<16xf32>
      %neg3A_292 = arith.constant 0.000000e+00 : f32
      %neg3A_293 = vector.broadcast %neg3A_292 : f32 to vector<16xf32>
      %neg3A_294 = arith.subf %neg3A_293, %add3A_278 : vector<16xf32>
      %exp3A_295 = math.exp %neg3A_294 : vector<16xf32>
      %add3A_296 = vector.broadcast %scan3A : f32 to vector<16xf32>
      %add3A_297 = arith.addf %add3A_296, %exp3A_295 : vector<16xf32>
      %div3A_298 = vector.broadcast %scan3A : f32 to vector<16xf32>
      %div3A_299 = arith.divf %div3A_298, %add3A_297 : vector<16xf32>
      %mul3A_300 = arith.mulf %add3A_297, %div3A_299 : vector<16xf32>
      %sub3A_301 = vector.broadcast %scan3A_258 : f32 to vector<16xf32>
      %sub3A_302 = arith.subf %sub3A_301, %mul3A_300 : vector<16xf32>
      %mul3A_303 = arith.mulf %div3A_299, %sub3A_302 : vector<16xf32>
      %mul3A_304 = arith.mulf %add3A_297, %mul3A_303 : vector<16xf32>
      %sub3A_305 = vector.broadcast %scan3A_258 : f32 to vector<16xf32>
      %sub3A_306 = arith.subf %sub3A_305, %mul3A_304 : vector<16xf32>
      %mul3A_307 = arith.mulf %mul3A_303, %sub3A_306 : vector<16xf32>
      %sub3A_308 = arith.subf %add3A_291, %mul3A_307 : vector<16xf32>
      scf.yield %sub3A_308 : vector<16xf32>
    }
    %scan3A_264 = arith.constant 32 : i32
    %swap3A = arith.constant 0 : index
    %swap3A_265 = tpu.vector_load %arg11[%swap3A] {strides = array<i32>} : memref<16xf32, #tpu.memory_space<vmem>>, vector<16xf32>,
    tpu.vector_store %arg11[%swap3A], %scan3A_263 {strides = array<i32>} : memref<16xf32, #tpu.memory_space<vmem>>, vector<16xf32>,
    "tpu.region"() ({
      %run_scoped3A = tpu.sem_alloc : memref<!tpu.dma_semaphore, #tpu.memory_space<semaphore_mem>>
      %dma_start3A_266 = arith.constant 0 : i32
      %dma_start3A_267 = tpu.memref_slice %arg5[%add3A, %dma_start3A_266] : memref<32x16xf32, #tpu.memory_space<hbm>> -> memref<1x16xf32, #tpu.memory_space<hbm>>
      %dma_start3A_268 = tpu.memref_squeeze %dma_start3A_267 : memref<1x16xf32, #tpu.memory_space<hbm>> -> memref<16xf32, #tpu.memory_space<hbm>>
      %dma_start3A_269 = arith.constant 0 : i32
      %dma_start3A_270 = tpu.memref_slice %arg5[%add3A, %dma_start3A_269] : memref<32x16xf32, #tpu.memory_space<hbm>> -> memref<1x16xf32, #tpu.memory_space<hbm>>
      %dma_start3A_271 = tpu.memref_squeeze %dma_start3A_270 : memref<1x16xf32, #tpu.memory_space<hbm>> -> memref<16xf32, #tpu.memory_space<hbm>>
      tpu.enqueue_dma source(%arg11 : memref<16xf32, #tpu.memory_space<vmem>>) target(%dma_start3A_271 : memref<16xf32, #tpu.memory_space<hbm>>) target_semaphore(%run_scoped3A : memref<!tpu.dma_semaphore, #tpu.memory_space<semaphore_mem>>)
      %dma_wait3A_272 = arith.constant 0 : i32
      %dma_wait3A_273 = tpu.memref_slice %arg5[%add3A, %dma_wait3A_272] : memref<32x16xf32, #tpu.memory_space<hbm>> -> memref<1x16xf32, #tpu.memory_space<hbm>>
      %dma_wait3A_274 = tpu.memref_squeeze %dma_wait3A_273 : memref<1x16xf32, #tpu.memory_space<hbm>> -> memref<16xf32, #tpu.memory_space<hbm>>
      %dma_wait3A_275 = arith.constant 0 : i32
      %dma_wait3A_276 = tpu.memref_slice %arg5[%add3A, %dma_wait3A_275] : memref<32x16xf32, #tpu.memory_space<hbm>> -> memref<1x16xf32, #tpu.memory_space<hbm>>
      %dma_wait3A_277 = tpu.memref_squeeze %dma_wait3A_276 : memref<1x16xf32, #tpu.memory_space<hbm>> -> memref<16xf32, #tpu.memory_space<hbm>>
      tpu.wait_dma2 semaphore(%run_scoped3A : memref<!tpu.dma_semaphore, #tpu.memory_space<semaphore_mem>>) src(%arg11 : memref<16xf32, #tpu.memory_space<vmem>>) dst(%dma_wait3A_277 : memref<16xf32, #tpu.memory_space<hbm>>)
      tpu.yield
    }) : () -> ()
    return
  }
}

module attributes {stable_mosaic.version = 14 : i64} {
  func.func @_matvec_body(%arg0: i32, %arg1: memref<1xi32, #tpu.memory_space<smem>>, %arg2: memref<8x128xf32, #tpu.memory_space<vmem>>, %arg3: memref<64x16384xf32, #tpu.memory_space<vmem>>, %arg4: memref<64x16384xf32, #tpu.memory_space<vmem>>, %arg5: memref<16384xf32, #tpu.memory_space<vmem>>, %arg6: memref<16384xf32, #tpu.memory_space<vmem>>) attributes {dimension_semantics = [#tpu.dimension_semantics<arbitrary>], iteration_bounds = array<i64: 62>, scalar_prefetch = 1 : i64, scratch_operands = 0 : i64, tpu.core_type = #tpu.core_type<tc>, window_params = [{transform_indices = @transform_0, window_bounds = array<i64: 8, 128>}, {transform_indices = @transform_1, window_bounds = array<i64: 64, 16384>}, {transform_indices = @transform_2, window_bounds = array<i64: 64, 16384>}, {transform_indices = @transform_3, window_bounds = array<i64: 16384>}, {transform_indices = @transform_4, window_bounds = array<i64: 16384>}]} {
    %get3A = arith.constant 0 : index
    %get3A_0 = memref.load %arg1[%get3A] : memref<1xi32, #tpu.memory_space<smem>>
    %jit3A = arith.constant 8 : i32
    %eq3A = arith.constant 0 : i32
    %eq3A_1 = arith.cmpi eq, %jit3A, %eq3A : i32
    %jit3A_2 = arith.constant 1 : i32
    %select_n3A = arith.select %eq3A_1, %jit3A_2, %jit3A : i32
    %rem3A = arith.remsi %get3A_0, %select_n3A : i32
    %ne3A = arith.constant 0 : i32
    %ne3A_3 = arith.cmpi ne, %rem3A, %ne3A : i32
    %lt3A = arith.constant 0 : i32
    %lt3A_4 = arith.cmpi slt, %rem3A, %lt3A : i32
    %lt3A_5 = arith.constant 0 : i32
    %lt3A_6 = arith.cmpi slt, %select_n3A, %lt3A_5 : i32
    %ne3A_7 = arith.xori %lt3A_4, %lt3A_6 : i1
    %and3A = arith.andi %ne3A_7, %ne3A_3 : i1
    %add3A = arith.addi %rem3A, %select_n3A : i32
    %select_n3A_8 = arith.select %and3A, %add3A, %rem3A : i32
    %get3A_9 = arith.index_cast %select_n3A_8 : i32 to index
    %get3A_10 = arith.constant 0 : index
    %get3A_11 = vector.load %arg2[%get3A_9, %get3A_10] : memref<8x128xf32, #tpu.memory_space<vmem>>, vector<1x128xf32>
    %get3A_12 = vector.shape_cast %get3A_11 : vector<1x128xf32> to vector<128xf32>
    %convert_element_type3A = arith.truncf %get3A_12 : vector<128xf32> to vector<128xbf16>
    %get3A_13 = arith.constant 0 : index
    %get3A_14 = arith.constant 0 : index
    %get3A_15 = vector.load %arg3[%get3A_13, %get3A_14] : memref<64x16384xf32, #tpu.memory_space<vmem>>, vector<64x16384xf32>
    %convert_element_type3A_16 = arith.truncf %get3A_15 : vector<64x16384xf32> to vector<64x16384xbf16>
    %get3A_17 = arith.constant 0 : index
    %get3A_18 = arith.constant 0 : index
    %get3A_19 = vector.load %arg4[%get3A_17, %get3A_18] : memref<64x16384xf32, #tpu.memory_space<vmem>>, vector<64x16384xf32>
    %convert_element_type3A_20 = arith.truncf %get3A_19 : vector<64x16384xf32> to vector<64x16384xbf16>
    %slice3A = vector.extract_strided_slice %convert_element_type3A {offsets = [0], sizes = [64], strides = [1]} : vector<128xbf16> to vector<64xbf16>
    %broadcast_in_dim3A = vector.shape_cast %slice3A : vector<64xbf16> to vector<1x64xbf16>
    %dot_general3A = arith.constant dense<0.000000e+00> : vector<1x16384xf32>
    %dot_general3A_21 = tpu.matmul %broadcast_in_dim3A, %convert_element_type3A_16, %dot_general3A {dimension_numbers = #tpu.dot_dimension_numbers<[1], [0], [0], [1], [0, 0, 1, 1], [], []>, transpose_lhs_hint = false} : vector<1x64xbf16>, vector<64x16384xbf16>, vector<1x16384xf32> -> vector<1x16384xf32>
    %squeeze3A = vector.shape_cast %dot_general3A_21 : vector<1x16384xf32> to vector<16384xf32>
    %swap3A = arith.constant 0 : index
    %swap3A_22 = vector.load %arg5[%swap3A] : memref<16384xf32, #tpu.memory_space<vmem>>, vector<16384xf32>
    tpu.vector_store %arg5[%swap3A], %squeeze3A {strides = array<i32>} : memref<16384xf32, #tpu.memory_space<vmem>>, vector<16384xf32>,
    %slice3A_23 = vector.extract_strided_slice %convert_element_type3A {offsets = [64], sizes = [64], strides = [1]} : vector<128xbf16> to vector<64xbf16>
    %broadcast_in_dim3A_24 = vector.shape_cast %slice3A_23 : vector<64xbf16> to vector<1x64xbf16>
    %dot_general3A_25 = arith.constant dense<0.000000e+00> : vector<1x16384xf32>
    %dot_general3A_26 = tpu.matmul %broadcast_in_dim3A_24, %convert_element_type3A_20, %dot_general3A_25 {dimension_numbers = #tpu.dot_dimension_numbers<[1], [0], [0], [1], [0, 0, 1, 1], [], []>, transpose_lhs_hint = false} : vector<1x64xbf16>, vector<64x16384xbf16>, vector<1x16384xf32> -> vector<1x16384xf32>
    %squeeze3A_27 = vector.shape_cast %dot_general3A_26 : vector<1x16384xf32> to vector<16384xf32>
    %swap3A_28 = arith.constant 0 : index
    %swap3A_29 = vector.load %arg6[%swap3A_28] : memref<16384xf32, #tpu.memory_space<vmem>>, vector<16384xf32>
    tpu.vector_store %arg6[%swap3A_28], %squeeze3A_27 {strides = array<i32>} : memref<16384xf32, #tpu.memory_space<vmem>>, vector<16384xf32>,
    return
  }
  func.func @transform_0(%arg0: i32, %arg1: memref<1xi32, #tpu.memory_space<smem>>) -> (i32, i32) {
    %get3A = arith.constant 0 : index
    %get3A_0 = memref.load %arg1[%get3A] : memref<1xi32, #tpu.memory_space<smem>>
    %jit3A = arith.constant 8 : i32
    %div3A = arith.divsi %get3A_0, %jit3A : i32
    %sign3A = arith.constant 0 : i32
    %sign3A_1 = arith.cmpi sgt, %get3A_0, %sign3A : i32
    %sign3A_2 = arith.extui %sign3A_1 : i1 to i32
    %sign3A_3 = arith.constant 0 : i32
    %sign3A_4 = arith.cmpi slt, %get3A_0, %sign3A_3 : i32
    %sign3A_5 = arith.extui %sign3A_4 : i1 to i32
    %sign3A_6 = arith.subi %sign3A_2, %sign3A_5 : i32
    %sign3A_7 = arith.constant 0 : i32
    %sign3A_8 = arith.cmpi sgt, %jit3A, %sign3A_7 : i32
    %sign3A_9 = arith.extui %sign3A_8 : i1 to i32
    %sign3A_10 = arith.constant 0 : i32
    %sign3A_11 = arith.cmpi slt, %jit3A, %sign3A_10 : i32
    %sign3A_12 = arith.extui %sign3A_11 : i1 to i32
    %sign3A_13 = arith.subi %sign3A_9, %sign3A_12 : i32
    %ne3A = arith.cmpi ne, %sign3A_6, %sign3A_13 : i32
    %rem3A = arith.remsi %get3A_0, %jit3A : i32
    %ne3A_14 = arith.constant 0 : i32
    %ne3A_15 = arith.cmpi ne, %rem3A, %ne3A_14 : i32
    %and3A = arith.andi %ne3A, %ne3A_15 : i1
    %sub3A = arith.constant 1 : i32
    %sub3A_16 = arith.subi %div3A, %sub3A : i32
    %select_n3A = arith.select %and3A, %sub3A_16, %div3A : i32
    %c0_i32 = arith.constant 0 : i32
    %c0_i32_17 = arith.constant 0 : i32
    return %select_n3A, %c0_i32 : i32, i32
  }
  func.func @transform_1(%arg0: i32, %arg1: memref<1xi32, #tpu.memory_space<smem>>) -> (i32, i32) {
    %c0_i32 = arith.constant 0 : i32
    %c0_i32_0 = arith.constant 0 : i32
    return %c0_i32, %arg0 : i32, i32
  }
  func.func @transform_2(%arg0: i32, %arg1: memref<1xi32, #tpu.memory_space<smem>>) -> (i32, i32) {
    %c0_i32 = arith.constant 0 : i32
    %c0_i32_0 = arith.constant 0 : i32
    return %c0_i32, %arg0 : i32, i32
  }
  func.func @transform_3(%arg0: i32, %arg1: memref<1xi32, #tpu.memory_space<smem>>) -> i32 {
    %c0_i32 = arith.constant 0 : i32
    return %arg0 : i32
  }
  func.func @transform_4(%arg0: i32, %arg1: memref<1xi32, #tpu.memory_space<smem>>) -> i32 {
    %c0_i32 = arith.constant 0 : i32
    return %arg0 : i32
  }
}

</mosaic_0001>

<sc_bundles>
// kernel: kernel.4.cloned.1.call-start
scs
__scs_entry_jumppad:
0x0: {  	(pc) =	sbr.rel $0x88, $3  }
0x1: {  	(tag) =	ssettag $0x0;
	lr =	simm.s32 $0x1  }
0x2: {  	[smem:$0x3F9D] =	sst lr;
	_ =	strace $0xD0000000  }
0x3: {  	_ = 	snop  }
0x4: {  	_ = 	snop  }
0x5: {  	_ = 	snop  }
0x6: {  	_ = 	snop  }
0x7: {  	_ = 	snop  }
__scs_overlays_trampoline_lowered:
0x8: {  	[smem:$0x3FAC] =	sst s0  }
0x9: {  	[smem:$0x3FAD] =	sst s1  }
0xa: {  	[smem:$0x3FAE] =	sst s2  }
0xb: {  	[smem:$0x3FAF] =	sst s3  }
0xc: {  	[smem:$0x3FB0] =	sst s4  }
0xd: {  	[smem:$0x3FB1] =	sst s5  }
0xe: {  	[smem:$0x3FB2] =	sst s6  }
0xf: {  	[smem:$0x3FB3] =	sst s7  }
0x10: {  	[smem:$0x3FB4] =	sst s8  }
0x11: {  	[smem:$0x3FB5] =	sst s9;
	s0 =	simm.s32 @!p0 $0x0  }
0x12: {  	s1 =	sld [smem:$0x3F9B];
	s0 =	simm.s32 @p0 $0x1  }
0x13: {  	[smem:$0x3FB6] =	sst s0;
	s0 =	simm.s32 @!p1 $0x0  }
0x14: {  	s2 =	sld [smem:$0x3F9A];
	s0 =	simm.s32 @p1 $0x1  }
0x15: {  	[smem:$0x3FB7] =	sst s0;
	s0 =	simm.s32 @!p2 $0x0  }
0x16: {  	s3 =	sld [smem:$0x3FDB];
	s0 =	simm.s32 @p2 $0x1  }
0x17: {  	s4 =	simm.s32 $0x1BF5;
	[smem:$0x3FB9] =	sst s0  }
0x18: {  	s0 =	sld [smem:$0x3F9C];
	_ =	swait.ge [sflag:s4], $0x0  }
0x19: {  	s7 =	sld [smem:$0x3F9D]  }
0x1a: {  	s8 =	sadd.s32 $0xFFFFE003, lr  }
0x1b: {  	s9 =	sadd.s32 $0xFFFFFEF7, lr;
	s5 =	simm.s32 $0xFFFFFFFF;
	p2 =	slt.u32 s8, $0xFFFFF086  }
0x1c: {  	p1 =	slt.u32 s9, $0xF7A;
	s5 =	simm.s32 @!p2 $0x0  }
0x1d: {  	s5 =	simm.s32 @p1 $0x1;
	p0 =	seq.s32 s7, s2  }
0x1e: {  	s7 =	smul.u32 @!p0 $0xF7A, s2;
	p2 =	seq.s32 @!p0 s5, $0x0  }
0x1f: {  	s9 =	smul.u32 $0xF7A, s1;
	s8 =	simm.s32 @!p0 $0x1BF5;
	p2 =	por !p2, p0  }
0x20: {  	[sflag:s8] =	ssyncset.s32 @!p0 $0xFFFFF086;
	s6 =	sadd.s32 @!p0 s3, s7;
	s7 =	simm.s32 @!p0 $0x108  }
0x21: {  	s3 =	sadd.s32 s3, s9;
	s6 =	sadd.s32 @!p0 $0x88, s6;
	s7 =	simm.s32 @p2 $0x1082  }
0x22: {  	[simem:s7], [sflag:s8] =	dma.local @!p0 [hbm:s6], $0xF7A  }
0x23: {  	s9 =	sor.u32 $0xD0000000, s2;
	s6 =	simm.s32 $0x108;
	_ =	swait.ge @!p0 [sflag:s8], $0x0  }
0x24: {  	s3 =	sadd.s32 $0x88, s3;
	s6 =	simm.s32 @!p1 $0x1082;
	[sflag:s4] =	ssyncset.s32 $0xFFFFF086  }
0x25: {  	[simem:s6], [sflag:s4] =	dma.local [hbm:s3], $0xF7A  }
0x26: {  	[smem:$0x3F9D] =	sst s1;
	(tag) =	ssettag s2;
	_ =	strace s9  }
0x27: {  	s1 =	sld [smem:$0x3FAD]  }
0x28: {  	s2 =	sld [smem:$0x3FAE]  }
0x29: {  	s4 =	sld [smem:$0x3FB0]  }
0x2a: {  	p0 =	seq.s32 s5, $0x0;
	s5 =	sld [smem:$0x3FB1]  }
0x2b: {  	s6 =	sld [smem:$0x3FB2]  }
0x2c: {  	s7 =	sld [smem:$0x3FB3]  }
0x2d: {  	s3 =	simm.s32 $0x108;
	s8 =	sld [smem:$0x3FB4]  }
0x2e: {  	s3 =	simm.s32 @!p0 $0x1082;
	s9 =	sld [smem:$0x3FB5]  }
0x2f: {  	lr =	sadd.s32 s0, s3;
	s0 =	sld [smem:$0x3FAC]  }
0x30: {  	s3 =	sld [smem:$0x3FAF]  }
0x31: {  	[smem:$0x3FB8] =	sst s10  }
0x32: {  	s10 =	sld [smem:$0x3FB6];
	_ =	sdelay $0x3  }
0x33: {  	p0 =	seq.s32 s10, $0x1;
	s10 =	sld [smem:$0x3FB8];
	_ =	sdelay $0x3  }
0x34: {  	[smem:$0x3FB8] =	sst s10  }
0x35: {  	s10 =	sld [smem:$0x3FB7];
	_ =	sdelay $0x3  }
0x36: {  	p1 =	seq.s32 s10, $0x1;
	s10 =	sld [smem:$0x3FB8];
	_ =	sdelay $0x3  }
0x37: {  	[smem:$0x3FB8] =	sst s10  }
0x38: {  	s10 =	sld [smem:$0x3FB9]  }
0x39: {  	_ = 	snop;
	(pc) =	sbr.ind lr, $3  }
0x3a: {  	_ = 	snop  }
0x3b: {  	_ = 	snop  }
0x3c: {  	p2 =	seq.s32 s10, $0x1;
	s10 =	sld [smem:$0x3FB8]  }
0x3d: {  	_ =	shalt  }
0x3e: {  	_ =	shalt  }
0x3f: {  	_ =	shalt  }
0x40: {  	_ =	shalt  }
0x41: {  	_ =	shalt  }
0x42: {  	_ =	shalt  }
0x43: {  	_ =	shalt  }
0x44: {  	_ =	shalt  }
0x45: {  	_ =	shalt  }
0x46: {  	_ =	shalt  }
0x47: {  	_ =	shalt  }
0x48: {  	_ =	shalt  }
0x49: {  	_ =	shalt  }
0x4a: {  	_ =	shalt  }
0x4b: {  	_ =	shalt  }
0x4c: {  	_ =	shalt  }
0x4d: {  	_ =	shalt  }
0x4e: {  	_ =	shalt  }
0x4f: {  	_ =	shalt  }
0x50: {  	_ =	shalt  }
0x51: {  	_ =	shalt  }
0x52: {  	_ =	shalt  }
0x53: {  	_ =	shalt  }
0x54: {  	_ =	shalt  }
0x55: {  	_ =	shalt  }
0x56: {  	_ =	shalt  }
0x57: {  	_ =	shalt  }
0x58: {  	_ =	shalt  }
0x59: {  	_ =	shalt  }
0x5a: {  	_ =	shalt  }
0x5b: {  	_ =	shalt  }
0x5c: {  	_ =	shalt  }
0x5d: {  	_ =	shalt  }
0x5e: {  	_ =	shalt  }
0x5f: {  	_ =	shalt  }
0x60: {  	_ =	shalt  }
0x61: {  	_ =	shalt  }
0x62: {  	_ =	shalt  }
0x63: {  	_ =	shalt  }
0x64: {  	_ =	shalt  }
0x65: {  	_ =	shalt  }
0x66: {  	_ =	shalt  }
0x67: {  	_ =	shalt  }
0x68: {  	_ =	shalt  }
0x69: {  	_ =	shalt  }
0x6a: {  	_ =	shalt  }
0x6b: {  	_ =	shalt  }
0x6c: {  	_ =	shalt  }
0x6d: {  	_ =	shalt  }
0x6e: {  	_ =	shalt  }
0x6f: {  	_ =	shalt  }
0x70: {  	_ =	shalt  }
0x71: {  	_ =	shalt  }
0x72: {  	_ =	shalt  }
0x73: {  	_ =	shalt  }
0x74: {  	_ =	shalt  }
0x75: {  	_ =	shalt  }
0x76: {  	_ =	shalt  }
0x77: {  	_ =	shalt  }
0x78: {  	_ =	shalt  }
0x79: {  	_ =	shalt  }
0x7a: {  	_ =	shalt  }
0x7b: {  	_ =	shalt  }
0x7c: {  	_ =	shalt  }
0x7d: {  	_ =	shalt  }
0x7e: {  	_ =	shalt  }
0x7f: {  	_ =	shalt  }
0x80: {  	_ =	shalt  }
0x81: {  	_ =	shalt  }
0x82: {  	_ =	shalt  }
0x83: {  	_ =	shalt  }
0x84: {  	_ =	shalt  }
0x85: {  	_ =	shalt  }
0x86: {  	_ =	shalt  }
0x87: {  	_ =	shalt  }
.Lfunc_end0:
.L_simem_size_0:
called_computation_lowered:
.L_overlay_start_0:
0x88: {  	s2 =	sld [smem:$0x3FD9]  }
0x89: {  	s3 =	sld [smem:$0x3FFE];
	_ =	sdelay $0x1  }
0x8a: {  	s1 =	srdreg.scid  }
0x8b: {  	s0 =	sand.u32 $0x1, s1  }
0x8c: {  	s16 =	sshll.u32 s0, $0xA;
	s2 =	sadd.s32 s3, s2  }
0x8d: {  	s2 =	sadd.s32 s2, s16  }
0x8e: {  	[smem:$0x3FC4] =	sst s2  }
0x8f: {  	_ = 	snop  }
0x90: {  	(tm) =	ssettm $0x1  }
0x91: {  	s17 =	sld [smem:$0x3FFB];
	_ =	sdelay $0x3  }
0x92: {  	_ =	strace s17  }
0x93: {  	s2 =	sld [smem:$0x3FFC];
	_ =	sdelay $0x3  }
0x94: {  	_ =	strace s2  }
0x95: {  	s2 =	sld [smem:$0x3FFD];
	_ =	sdelay $0x3  }
0x96: {  	_ =	strace s2  }
0x97: {  	_ =	strace $0x8FFFFFFF  }
0x98: {  	s18 =	sld [smem:$0x3FDB];
	_ =	sdelay $0x1  }
0x99: {  	s19 =	simm.s32 $_scs_section_size  }
0x9a: {  	s4 =	simm.s32 $_size__tile_overlayer_lowered;
	s5 =	simm.s32 $_tile_overlayer_lowered  }
0x9b: {  	s22 =	simm.s32 $0x1BFF;
	s21 =	sshll.u32 s5, $0x1;
	s2 =	sadd.s32 s19, s18  }
0x9c: {  	s6 =	simm.s32 $0x0;
	s20 =	sshll.u32 s4, $0x1;
	s4 =	sadd.s32 s21, s2  }
0x9d: {  	[timem:s6], [sflag:s22] =	dma.local [hbm:s4], s20  }
0x9e: {  	_ =	swait.ge [sflag:s22], s20  }
0x9f: {  	s3 =	ssub.s32 $0x0, s20;
	[sflag:s22] =	ssyncset.done $0x0  }
0xa0: {  	[sflag:s22] =	ssyncadd.s32 s3;
	_ =	sdelay $0x1  }
0xa1: {  	s23 =	simm.s32 $0x1B8B  }
0xa2: {  	_ =	swait.ge [sflag:s23], $0x1  }
0xa3: {  	[sflag:s23] =	ssyncset.done $0x0  }
0xa4: {  	s25 =	simm.s32 $0x1B8E;
	s24 =	sld [smem:$0x3FFE];
	[sflag:s23] =	ssyncadd.s32 $0xFFFFFFFF  }
0xa5: {  	s26 =	simm.s32 $execute0_lowered;
	[smem:$0x3FD2] =	sst s25  }
0xa6: {  	s4 =	sshll.u32 s26, $0x1;
	_ =	strace $0x80000046;
	[dreg:$0x1] =	wrdreg $0xFFFFFFFF  }
0xa7: {  	s28 =	simm.s32 $_size_execute0_lowered;
	s2 =	sadd.s32 s2, s4;
	[dreg:$0x0] =	wrdreg $0x0  }
0xa8: {  	s4 =	sshll.u32 s28, $0x1;
	[dreg:$0x2] =	wrdreg s2  }
0xa9: {  	[dreg:$0x3] =	wrdreg s4  }
0xaa: {  	[dreg:$0x4] =	wrdreg $0xC0  }
0xab: {  	_ =	task [dreg:s6], $0x5FFFF  }
0xac: {  	[dreg:$0x1] =	wrdreg $0xFFFFFFFF  }
0xad: {  	[dreg:$0x0] =	wrdreg $0x60  }
0xae: {  	[dreg:$0x2] =	wrdreg s24  }
0xaf: {  	[dreg:$0x3] =	wrdreg $0x9  }
0xb0: {  	_ =	task.clear_ibuf [dreg:s6], $0x4FFFF;
	_ =	strace $0x90000046  }
0xb1: {  	s29 =	simm.s32 $0x9;
	_ =	strace $0x80000048  }
0xb2: {  	_ =	swait.ge [sflag:s29], $0x1  }
0xb3: {  	[sflag:s29] =	ssyncadd.s32 $0xFFFFFFFF  }
0xb4: {  	_ =	strace $0x90000048  }
0xb5: {  	_ =	sfence  }
0xb6: {  	s30 =	sld [smem:$0x0];
	_ =	sdelay $0x2  }
0xb7: {  	s31 =	sshll.u32 s1, $0xD;
	s1 =	sshrl.u32 s1, $0x2  }
0xb8: {  	s3 =	sand.u32 $0x4000, s31;
	s1 =	sadd.s32 s1, s30  }
0xb9: {  	s0 =	sor.u32 s3, s0;
	s1 =	sshll.u32 s1, $0x11  }
0xba: {  	s0 =	sor.u32 s1, s0  }
0xbb: {  	s0 =	sadd.s32 $0x8F2B, s0  }
0xbc: {  	[sflag:s0] =	ssyncadd.remote.s32 $0x1  }
0xbd: {  	_ =	sfence.sel $0xFFFF  }
0xbe: {  	[dreg:$0x0] =	wrdreg $0xFFFFFFFF;
	(pc) =	sbr.abs _section_cstart, $3  }
0xbf: {  	[dreg:$0x1] =	wrdreg $0xFFFFFFFF  }
0xc0: {  	_ =	task.clear_ibuf [dreg:s6], $0x2FFFF;
	_ =	strace $0x9FFFFFFF  }
0xc1: {  	(tm) =	ssettm $0x7FFFFFFF  }
tec
execute0_lowered:
.L_overlay_start_1:
0x0: {  	(tag) =	ssettag $0x1  }
0x1: {  	s0 =	srdreg.scid;
	s2 =	stileid.u32  }
0x2: {  	s1 =	rddreg [dreg:$0x0];
	s8 =	simm.s32 $0x200;
	s10 =	simm.s32 $0x2  }
0x3: {  	s11 =	simm.s32 $0x80;
	s24 =	simm.s32 $0xE80;
	s25 =	simm.s32 $0x300  }
0x4: {  	s26 =	simm.s32 $0x900;
	s28 =	simm.s32 $0x100;
	s29 =	simm.s32 $0xB00  }
0x5: {  	s30 =	simm.s32 $0x700;
	s31 =	simm.s32 $0xD00;
	s9 =	simm.s32 $0x380  }
0x6: {  	s12 =	simm.s32 $0x980;
	s13 =	simm.s32 $0x180;
	s14 =	simm.s32 $0xB80  }
0x7: {  	s15 =	simm.s32 $0x780;
	s16 =	simm.s32 $0xD80;
	s17 =	simm.s32 $0x580  }
0x8: {  	s18 =	simm.s32 $0xF80;
	s19 =	simm.s32 $0x1;
	s20 =	simm.s32 $0x1000  }
0x9: {  	s0 =	sand.u32 $0x1, s0;
	s3 =	sshll.u32 s2, $0x1;
	s2 =	simm.s32 $0x0  }
0xa: {  	s21 =	simm.s32 $0x0;
	s4 =	sor.u32 s0, s3;
	[smem:$0x7FF] =	sst s2  }
0xb: {  	s0 =	ssub.s32 $0x2, s0;
	s3 =	sshll.u32 s4, $0x6;
	_ =	strace $0x80000047  }
0xc: {  	s6 =	sshll.u32 s4, $0x1;
	s7 =	sshrl.u32 s0, $0x1;
	s4 =	sadd.s32 $0x21800, s1  }
0xd: {  	s5 =	sadd.s32 s3, s1;
	s3 =	sadd.s32 $0x2E00, s1;
	s1 =	sadd.s32 s6, s1  }
0xe: {  	s0 =	ssub.s32 s0, s7;
	s5 =	sadd.s32 $0xE00, s5;
	s6 =	sadd.s32 $0x40200, s1  }
0xf: {  	s7 =	smax.u32 s0, $0x1;
	s1 =	simm.s32 $0x500;
	s0 =	simm.s32 $0xF00  }
.LBB2_1:
0x10: {  	s22 =	simm.s32 $0x4000  }
0x11: {  	[tilespmem:s2], [sflag:$0x2] =	stream.strided.gather [hbm4b:s5+s8], $0x800, s22, s8, $0x38;
	[tilespmem:$0x1010] =	vst v63  }
0x12: {  	_ =	swait.ge [sflag:s10], $0x800  }
0x13: {  	[sflag:s10] =	ssyncset.done $0x0  }
0x14: {  	s23 =	simm.s32 $0x800;
	[sflag:s10] =	ssyncadd.s32 $0xFFFFF800  }
0x15: {  	[tilespmem:s23], [sflag:$0x1] =	stream.indirect.gather [hbm4b:s3+s11], $0x1, s8, s11, $0xb8;
	[tilespmem:$0x1010] =	vst v63  }
0x16: {  	s23 =	simm.s32 $0xA00  }
0x17: {  	[tilespmem:s23], [sflag:$0x1] =	stream.indirect.gather [hbm4b:s4+s11], $0x1, s2, s11, $0xb8;
	[tilespmem:$0x1010] =	vst v63  }
0x18: {  	s22 =	simm.s32 $0x600;
	s23 =	simm.s32 $0xC00  }
0x19: {  	[tilespmem:s23], [sflag:$0x1] =	stream.indirect.gather [hbm4b:s3+s11], $0x1, s22, s11, $0xb8;
	[tilespmem:$0x1010] =	vst v63  }
0x1a: {  	s22 =	simm.s32 $0x400;
	s23 =	simm.s32 $0xE00  }
0x1b: {  	[tilespmem:s23], [sflag:$0x1] =	stream.indirect.gather [hbm4b:s4+s11], $0x1, s22, s11, $0xb8;
	[tilespmem:$0x1010] =	vst v63  }
0x1c: {  	s22 =	simm.s32 $0x280;
	s23 =	simm.s32 $0x880  }
0x1d: {  	[tilespmem:s23], [sflag:$0x1] =	stream.indirect.gather [hbm4b:s3+s11], $0x1, s22, s11, $0xb8;
	[tilespmem:$0x1010] =	vst v63  }
0x1e: {  	s23 =	simm.s32 $0xA80  }
0x1f: {  	[tilespmem:s23], [sflag:$0x1] =	stream.indirect.gather [hbm4b:s4+s11], $0x1, s11, s11, $0xb8;
	[tilespmem:$0x1010] =	vst v63  }
0x20: {  	s22 =	simm.s32 $0x680;
	s23 =	simm.s32 $0xC80  }
0x21: {  	[tilespmem:s23], [sflag:$0x1] =	stream.indirect.gather [hbm4b:s3+s11], $0x1, s22, s11, $0xb8;
	[tilespmem:$0x1010] =	vst v63  }
0x22: {  	s23 =	simm.s32 $0x480  }
0x23: {  	[tilespmem:s24], [sflag:$0x1] =	stream.indirect.gather [hbm4b:s4+s11], $0x1, s23, s11, $0xb8;
	[tilespmem:$0x1010] =	vst v63  }
0x24: {  	_ = 	snop  }
0x25: {  	[tilespmem:s26], [sflag:$0x1] =	stream.indirect.gather [hbm4b:s3+s11], $0x1, s25, s11, $0xb8;
	[tilespmem:$0x1010] =	vst v63  }
0x26: {  	_ = 	snop  }
0x27: {  	[tilespmem:s29], [sflag:$0x1] =	stream.indirect.gather [hbm4b:s4+s11], $0x1, s28, s11, $0xb8;
	[tilespmem:$0x1010] =	vst v63  }
0x28: {  	_ = 	snop  }
0x29: {  	[tilespmem:s31], [sflag:$0x1] =	stream.indirect.gather [hbm4b:s3+s11], $0x1, s30, s11, $0xb8;
	[tilespmem:$0x1010] =	vst v63  }
0x2a: {  	_ = 	snop  }
0x2b: {  	[tilespmem:s0], [sflag:$0x1] =	stream.indirect.gather [hbm4b:s4+s11], $0x1, s1, s11, $0xb8;
	[tilespmem:$0x1010] =	vst v63  }
0x2c: {  	_ = 	snop  }
0x2d: {  	[tilespmem:s12], [sflag:$0x1] =	stream.indirect.gather [hbm4b:s3+s11], $0x1, s9, s11, $0xb8;
	[tilespmem:$0x1010] =	vst v63  }
0x2e: {  	_ = 	snop  }
0x2f: {  	[tilespmem:s14], [sflag:$0x1] =	stream.indirect.gather [hbm4b:s4+s11], $0x1, s13, s11, $0xb8;
	[tilespmem:$0x1010] =	vst v63  }
0x30: {  	_ = 	snop  }
0x31: {  	[tilespmem:s16], [sflag:$0x1] =	stream.indirect.gather [hbm4b:s3+s11], $0x1, s15, s11, $0xb8;
	[tilespmem:$0x1010] =	vst v63  }
0x32: {  	_ = 	snop  }
0x33: {  	[tilespmem:s18], [sflag:$0x1] =	stream.indirect.gather [hbm4b:s4+s11], $0x1, s17, s11, $0xb8;
	[tilespmem:$0x1010] =	vst v63  }
0x34: {  	_ =	swait.ge [sflag:s19], $0x80  }
0x35: {  	[sflag:s19] =	ssyncset.done $0x0  }
0x36: {  	[sflag:s19] =	ssyncadd.s32 $0xFFFFFF80  }
0x37: {  	_ =	swait.ge [sflag:s19], $0x80  }
0x38: {  	[sflag:s19] =	ssyncset.done $0x0  }
0x39: {  	[sflag:s19] =	ssyncadd.s32 $0xFFFFFF80  }
0x3a: {  	_ =	swait.ge [sflag:s19], $0x80  }
0x3b: {  	[sflag:s19] =	ssyncset.done $0x0  }
0x3c: {  	[sflag:s19] =	ssyncadd.s32 $0xFFFFFF80  }
0x3d: {  	_ =	swait.ge [sflag:s19], $0x80  }
0x3e: {  	[sflag:s19] =	ssyncset.done $0x0  }
0x3f: {  	[sflag:s19] =	ssyncadd.s32 $0xFFFFFF80  }
0x40: {  	_ =	swait.ge [sflag:s19], $0x80  }
0x41: {  	[sflag:s19] =	ssyncset.done $0x0  }
0x42: {  	[sflag:s19] =	ssyncadd.s32 $0xFFFFFF80  }
0x43: {  	_ =	swait.ge [sflag:s19], $0x80  }
0x44: {  	[sflag:s19] =	ssyncset.done $0x0  }
0x45: {  	[sflag:s19] =	ssyncadd.s32 $0xFFFFFF80  }
0x46: {  	_ =	swait.ge [sflag:s19], $0x80  }
0x47: {  	[sflag:s19] =	ssyncset.done $0x0  }
0x48: {  	[sflag:s19] =	ssyncadd.s32 $0xFFFFFF80  }
0x49: {  	_ =	swait.ge [sflag:s19], $0x80  }
0x4a: {  	[sflag:s19] =	ssyncset.done $0x0  }
0x4b: {  	[sflag:s19] =	ssyncadd.s32 $0xFFFFFF80  }
0x4c: {  	_ =	swait.ge [sflag:s19], $0x80  }
0x4d: {  	[sflag:s19] =	ssyncset.done $0x0  }
0x4e: {  	[sflag:s19] =	ssyncadd.s32 $0xFFFFFF80  }
0x4f: {  	_ =	swait.ge [sflag:s19], $0x80  }
0x50: {  	[sflag:s19] =	ssyncset.done $0x0  }
0x51: {  	[sflag:s19] =	ssyncadd.s32 $0xFFFFFF80  }
0x52: {  	_ =	swait.ge [sflag:s19], $0x80  }
0x53: {  	[sflag:s19] =	ssyncset.done $0x0  }
0x54: {  	[sflag:s19] =	ssyncadd.s32 $0xFFFFFF80  }
0x55: {  	_ =	swait.ge [sflag:s19], $0x80  }
0x56: {  	[sflag:s19] =	ssyncset.done $0x0  }
0x57: {  	[sflag:s19] =	ssyncadd.s32 $0xFFFFFF80  }
0x58: {  	_ =	swait.ge [sflag:s19], $0x80  }
0x59: {  	[sflag:s19] =	ssyncset.done $0x0  }
0x5a: {  	[sflag:s19] =	ssyncadd.s32 $0xFFFFFF80  }
0x5b: {  	_ =	swait.ge [sflag:s19], $0x80  }
0x5c: {  	[sflag:s19] =	ssyncset.done $0x0  }
0x5d: {  	[sflag:s19] =	ssyncadd.s32 $0xFFFFFF80  }
0x5e: {  	_ =	swait.ge [sflag:s19], $0x80  }
0x5f: {  	[sflag:s19] =	ssyncset.done $0x0  }
0x60: {  	[sflag:s19] =	ssyncadd.s32 $0xFFFFFF80  }
0x61: {  	_ =	swait.ge [sflag:s19], $0x80  }
0x62: {  	[sflag:s19] =	ssyncset.done $0x0  }
0x63: {  	s23 =	simm.s32 $0x0;
	[sflag:s19] =	ssyncadd.s32 $0xFFFFFF80  }
0x64: {  	v0 =	vld [tilespmem:s23+$0xC00]  }
0x65: {  	v1 =	vld [tilespmem:s23+$0xE00]  }
0x66: {  	v2 =	vld [tilespmem:s23+$0x800]  }
0x67: {  	v3 =	vld [tilespmem:s23+$0xA00];
	_ =	sdelay $0x2  }
0x68: {  	s23 =	simm.s32 $0x10  }
0x69: {  	v4 =	vld [tilespmem:s23+$0x800];
	v0 =	vadd.f32 v1, v0  }
0x6a: {  	v1 =	vadd.f32 v3, v2;
	v2 =	vld [tilespmem:s23+$0xC00]  }
0x6b: {  	v3 =	vld [tilespmem:s23+$0xE00];
	v0 =	vsub.f32 $0.0e+00, v0  }
0x6c: {  	v5 =	vld [tilespmem:s23+$0xA00];
	v1 =	vsub.f32 $0.0e+00, v1  }
0x6d: {  	v0 =	vmul.f32 $1.442695020e+00, v0  }
0x6e: {  	v1 =	vmul.f32 $1.442695020e+00, v1  }
0x6f: {  	(erf) = vpow2.f32 v0  }
0x70: {  	v0 =	vadd.f32 v3, v2;
	(erf) = vpow2.f32 v1  }
0x71: {  	v1 =	vadd.f32 v5, v4  }
0x72: {  	s23 =	simm.s32 $0x20;
	v0 =	vsub.f32 $0.0e+00, v0  }
0x73: {  	v2 =	vld [tilespmem:s23+$0xC00];
	v1 =	vsub.f32 $0.0e+00, v1  }
0x74: {  	v3 =	vld [tilespmem:s23+$0xE00];
	v0 =	vmul.f32 $1.442695020e+00, v0  }
0x75: {  	v4 =	vld [tilespmem:s23+$0x800];
	v1 =	vmul.f32 $1.442695020e+00, v1  }
0x76: {  	v5 =	vld [tilespmem:s23+$0xA00];
	_ =	sdelay $0x1  }
0x77: {  	(erf) = vpow2.f32 v0;
	v0 =	vpop (erf)  }
0x78: {  	(erf) = vpow2.f32 v1;
	v1 =	vpop (erf)  }
0x79: {  	v2 =	vadd.f32 v3, v2;
	v1 =	vadd.f32 $1.000000000e+00, v1  }
0x7a: {  	v3 =	vadd.f32 v5, v4  }
0x7b: {  	s23 =	simm.s32 $0x30;
	v7 =	vadd.f32 $1.000000000e+00, v0;
	v0 =	vsub.f32 $0.0e+00, v2;
	(erf) = vrcp.f32 v1  }
0x7c: {  	v4 =	vld [tilespmem:s23+$0xE00];
	v2 =	vsub.f32 $0.0e+00, v3  }
0x7d: {  	v3 =	vld [tilespmem:s23+$0xC00];
	v0 =	vmul.f32 $1.442695020e+00, v0;
	(erf) = vrcp.f32 v7  }
0x7e: {  	v6 =	vld [tilespmem:s23+$0xA00];
	v2 =	vmul.f32 $1.442695020e+00, v2  }
0x7f: {  	v5 =	vld [tilespmem:s23+$0x800];
	_ =	sdelay $0x1  }
0x80: {  	s23 =	simm.s32 $0x40;
	(erf) = vpow2.f32 v0;
	v0 =	vpop (erf)  }
0x81: {  	v8 =	vld [tilespmem:s23+$0xC00];
	v3 =	vadd.f32 v4, v3;
	(erf) = vpow2.f32 v2;
	v2 =	vpop (erf)  }
0x82: {  	v10 =	vld [tilespmem:s23+$0xE00];
	v2 =	vadd.f32 $1.000000000e+00, v2  }
0x83: {  	v5 =	vadd.f32 v6, v5;
	v3 =	vsub.f32 $0.0e+00, v3;
	v9 =	vpop (erf)  }
0x84: {  	v0 =	vadd.f32 $1.000000000e+00, v0;
	(erf) = vrcp.f32 v2;
	v4 =	vmul.f32 v9, v1  }
0x85: {  	v5 =	vsub.f32 $0.0e+00, v5;
	v3 =	vmul.f32 $1.442695020e+00, v3;
	v11 =	vpop (erf)  }
0x86: {  	v6 =	vld [tilespmem:s23+$0x800];
	(erf) = vrcp.f32 v0;
	v14 =	vmul.f32 v11, v7;
	v13 =	vsub.f32 $2.000000000e+00, v4  }
0x87: {  	v12 =	vld [tilespmem:s23+$0xA00];
	v8 =	vadd.f32 v10, v8  }
0x88: {  	v13 =	vmul.f32 v13, v9;
	v9 =	vsub.f32 $2.000000000e+00, v14;
	v14 =	vmul.f32 $1.442695020e+00, v5  }
0x89: {  	(erf) = vpow2.f32 v3;
	v15 =	vpop (erf)  }
0x8a: {  	v17 =	vsub.f32 $0.0e+00, v8;
	v3 =	vpop (erf);
	(erf) = vpow2.f32 v14  }
0x8b: {  	v3 =	vadd.f32 $1.000000000e+00, v3;
	v10 =	vmul.f32 v13, v1;
	v5 =	vmul.f32 v9, v11  }
0x8c: {  	s23 =	simm.s32 $0x50;
	v11 =	vadd.f32 v12, v6;
	v1 =	vadd.f32 $1.000000000e+00, v15  }
0x8d: {  	v9 =	vld [tilespmem:s23+$0xC00];
	v6 =	vpop (erf);
	(erf) = vrcp.f32 v3;
	v14 =	vsub.f32 $2.000000000e+00, v10;
	v16 =	vmul.f32 v5, v7  }
0x8e: {  	v17 =	vmul.f32 $1.442695020e+00, v17;
	v12 =	vld [tilespmem:s23+$0xE00];
	v18 =	vmul.f32 v6, v2;
	v15 =	vsub.f32 $0.0e+00, v11  }
0x8f: {  	v10 =	vld [tilespmem:s23+$0x800];
	(erf) = vrcp.f32 v1;
	v7 =	vpop (erf);
	v8 =	vmul.f32 v14, v13;
	v11 =	vsub.f32 $2.000000000e+00, v16  }
0x90: {  	s22 =	simm.s32 $0x180;
	v4 =	vimm.f32 $0.0e+00;
	v13 =	vld [tilespmem:s23+$0xA00];
	v16 =	vsub.f32 $2.000000000e+00, v18;
	v14 =	vmul.f32 v7, v0  }
.LBB2_2:
0x91: {  	p0 =	sne.s32 s22, $0x7C0;
	v15 =	vmul.f32 $1.442695020e+00, v15;
	v4 =	vadd.f32 v8, v4;
	v5 =	vmul.f32 v11, v5  }
0x92: {  	(erf) = vpow2.f32 v17;
	v8 =	vpop (erf);
	v11 =	vmul.f32 v16, v6;
	v6 =	vsub.f32 $2.000000000e+00, v14  }
0x93: {  	v14 =	vadd.f32 v12, v9;
	(erf) = vpow2.f32 v15;
	v9 =	vpop (erf);
	v4 =	vsub.f32 v4, v5  }
0x94: {  	v12 =	vmul.f32 v11, v2;
	v5 =	vmul.f32 v6, v7;
	v2 =	vmovc v3;
	v3 =	vadd.f32 $1.000000000e+00, v9  }
.Ltmp0:
0x95: {  	s23 =	sshra.s32 s22, $0x2;
	v8 =	vadd.f32 $1.000000000e+00, v8;
	v17 =	vadd.f32 v13, v10;
	(pc) =	sbr.rel @p0 .LBB2_2-.Ltmp0, $4  }
0x96: {  	v9 =	vld [tilespmem:s23+$0xC00];
	(erf) = vrcp.f32 v3;
	v6 =	vpop (erf);
	v13 =	vsub.f32 $2.000000000e+00, v12;
	v16 =	vmul.f32 v5, v0  }
0x97: {  	v14 =	vsub.f32 $0.0e+00, v14;
	v0 =	vmovc v1;
	v1 =	vmovc v8;
	v12 =	vld [tilespmem:s23+$0xE00];
	v15 =	vsub.f32 $0.0e+00, v17;
	v18 =	vmul.f32 v6, v2  }
0x98: {  	v10 =	vld [tilespmem:s23+$0x800];
	(erf) = vrcp.f32 v1;
	v7 =	vpop (erf);
	v8 =	vmul.f32 v13, v11;
	v11 =	vsub.f32 $2.000000000e+00, v16  }
0x99: {  	s22 =	sadd.s32 $0x40, s22;
	v17 =	vmul.f32 $1.442695020e+00, v14;
	v13 =	vld [tilespmem:s23+$0xA00];
	v16 =	vsub.f32 $2.000000000e+00, v18;
	v14 =	vmul.f32 v7, v0  }
0x9a: {  	_ =	sdelay $0x2  }
0x9b: {  	v15 =	vmul.f32 $1.442695020e+00, v15;
	v18 =	vpop (erf);
	v9 =	vadd.f32 v12, v9  }
0x9c: {  	(erf) = vpow2.f32 v17;
	v62 =	vpop (erf);
	v10 =	vadd.f32 v13, v10  }
0x9d: {  	(erf) = vpow2.f32 v15;
	v12 =	vadd.f32 $1.000000000e+00, v62;
	v9 =	vsub.f32 $0.0e+00, v9  }
0x9e: {  	v63 =	vadd.f32 $1.000000000e+00, v18;
	v10 =	vsub.f32 $0.0e+00, v10  }
0x9f: {  	(erf) = vrcp.f32 v12;
	v9 =	vmul.f32 $1.442695020e+00, v9  }
0xa0: {  	(erf) = vrcp.f32 v63;
	v10 =	vmul.f32 $1.442695020e+00, v10  }
0xa1: {  	(erf) = vpow2.f32 v9  }
0xa2: {  	(erf) = vpow2.f32 v10  }
0xa3: {  	v21 =	vpop (erf)  }
0xa4: {  	v22 =	vpop (erf)  }
0xa5: {  	v23 =	vpop (erf)  }
0xa6: {  	v6 =	vmul.f32 v16, v6;
	v24 =	vpop (erf)  }
0xa7: {  	v16 =	vadd.f32 $1.000000000e+00, v24  }
0xa8: {  	v14 =	vsub.f32 $2.000000000e+00, v14;
	v2 =	vmul.f32 v6, v2;
	v25 =	vpop (erf)  }
0xa9: {  	v26 =	vmul.f32 v21, v3;
	v27 =	vadd.f32 $1.000000000e+00, v23;
	(erf) = vrcp.f32 v16;
	v19 =	vpop (erf)  }
0xaa: {  	v5 =	vmul.f32 v11, v5;
	v7 =	vmul.f32 v14, v7;
	v2 =	vsub.f32 $2.000000000e+00, v2;
	v28 =	vpop (erf)  }
0xab: {  	v29 =	vsub.f32 $2.000000000e+00, v26;
	v31 =	vmul.f32 v22, v1;
	(erf) = vrcp.f32 v27;
	v30 =	vpop (erf)  }
0xac: {  	v4 =	vadd.f32 v8, v4;
	v0 =	vmul.f32 v7, v0;
	v14 =	vadd.f32 $1.000000000e+00, v30  }
0xad: {  	v2 =	vmul.f32 v2, v6;
	v6 =	vmul.f32 v29, v21;
	v32 =	vsub.f32 $2.000000000e+00, v31  }
0xae: {  	v4 =	vsub.f32 v4, v5;
	v33 =	vadd.f32 $1.000000000e+00, v28;
	(erf) = vrcp.f32 v14  }
0xaf: {  	v0 =	vsub.f32 $2.000000000e+00, v0;
	v34 =	vmul.f32 v6, v3;
	v8 =	vmul.f32 v32, v22  }
0xb0: {  	v35 =	vmul.f32 v25, v12;
	(erf) = vrcp.f32 v33  }
0xb1: {  	v2 =	vadd.f32 v2, v4;
	v0 =	vmul.f32 v0, v7;
	v37 =	vmul.f32 v19, v63  }
0xb2: {  	v3 =	vsub.f32 $2.000000000e+00, v34;
	v38 =	vmul.f32 v8, v1;
	v36 =	vsub.f32 $2.000000000e+00, v35;
	v39 =	vpop (erf)  }
0xb3: {  	v0 =	vsub.f32 v2, v0;
	v5 =	vsub.f32 $2.000000000e+00, v37;
	v40 =	vmul.f32 v39, v16  }
0xb4: {  	v41 =	vmul.f32 v3, v6;
	v1 =	vsub.f32 $2.000000000e+00, v38;
	v4 =	vmul.f32 v36, v25;
	v43 =	vpop (erf)  }
0xb5: {  	v5 =	vmul.f32 v5, v19;
	v44 =	vmul.f32 v43, v27;
	v10 =	vsub.f32 $2.000000000e+00, v40  }
0xb6: {  	v0 =	vadd.f32 v41, v0;
	v1 =	vmul.f32 v1, v8;
	v42 =	vmul.f32 v4, v12  }
0xb7: {  	v45 =	vmul.f32 v5, v63;
	v47 =	vsub.f32 $2.000000000e+00, v44;
	v7 =	vmul.f32 v10, v39;
	v46 =	vpop (erf)  }
0xb8: {  	v0 =	vsub.f32 v0, v1;
	v3 =	vsub.f32 $2.000000000e+00, v42;
	v48 =	vmul.f32 v46, v14  }
0xb9: {  	v49 =	vsub.f32 $2.000000000e+00, v45;
	v1 =	vmul.f32 v47, v43;
	v50 =	vmul.f32 v7, v16;
	v51 =	vpop (erf)  }
0xba: {  	v3 =	vmul.f32 v3, v4;
	v52 =	vmul.f32 v51, v33;
	v2 =	vsub.f32 $2.000000000e+00, v48  }
0xbb: {  	v53 =	vmul.f32 v49, v5;
	v55 =	vmul.f32 v1, v27;
	v54 =	vsub.f32 $2.000000000e+00, v50  }
0xbc: {  	v0 =	vadd.f32 v3, v0;
	v6 =	vsub.f32 $2.000000000e+00, v52;
	v2 =	vmul.f32 v2, v46  }
0xbd: {  	v57 =	vsub.f32 $2.000000000e+00, v55;
	v56 =	vmul.f32 v54, v7  }
0xbe: {  	v0 =	vsub.f32 v0, v53;
	v6 =	vmul.f32 v6, v51;
	v58 =	vmul.f32 v2, v14  }
0xbf: {  	v1 =	vmul.f32 v57, v1  }
0xc0: {  	v0 =	vadd.f32 v56, v0;
	v60 =	vmul.f32 v6, v33;
	v59 =	vsub.f32 $2.000000000e+00, v58;
	_ =	sdelay $0x1  }
0xc1: {  	v0 =	vsub.f32 v0, v1;
	v62 =	vsub.f32 $2.000000000e+00, v60;
	v61 =	vmul.f32 v59, v2;
	_ =	sdelay $0x1  }
0xc2: {  	v63 =	vmul.f32 v62, v6;
	v0 =	vadd.f32 v61, v0;
	_ =	sdelay $0x1  }
0xc3: {  	s21 =	sadd.s32 $0x1, s21;
	v0 =	vsub.f32 v0, v63  }
0xc4: {  	p0 =	sne.s32 s21, s7  }
.Ltmp1:
0xc5: {  	[tilespmem:$0x1000] =	vst v0;
	(pc) =	sbr.rel @p0 .LBB2_1-.Ltmp1, $4  }
0xc6: {  	[hbm4b:s6+s2] =	stream.linear.scatter [tilespmem:s20], [sflag:$0x2], $0x10, $0x38;
	[tilespmem:$0x1010] =	vst v63  }
0xc7: {  	_ =	swait.ge [sflag:s10], $0x10  }
0xc8: {  	[sflag:s10] =	ssyncset.done $0x0  }
0xc9: {  	[sflag:s10] =	ssyncadd.s32 $0xFFFFFFF0  }
0xca: {  	_ =	sfence.sel $0x180000  }
0xcb: {  	[bflag:$0x0] =	sbarrier.arrive $0xFFFF  }
0xcc: {  	_ =	strace $0x90000047  }
0xcd: {  	s0 =	stileid.u32;
	[bflag:$0x2] =	sbarrier.arrive $0xFFFF  }
0xce: {  	p0 =	sne.s32 s0, $0x0;
	s0 =	rddreg [dreg:$0x1]  }
0xcf: {  	s0 =	sadd.s32 @!p0 $0x100000, s0  }
0xd0: {  	[sflag:s0] =	ssyncadd.tile.s32 @!p0 $0x1;
	_ =	shalt  }
.Lfunc_end2:
_tile_overlayer_lowered:
.L_overlay_start_2:
0xd1: {  	(tag) =	ssettag $0x2  }
0xd2: {  	s0 =	rddreg [dreg:$0x0];
	s2 =	stileid.u32  }
0xd3: {  	s1 =	rddreg [dreg:$0x1];
	p0 =	sne.s32 s2, $0x0  }
0xd4: {  	s3 =	rddreg [dreg:$0x2];
	[bflag:$0x3] =	sbarrier.arrive $0xFFFF;
	s2 =	simm.s32 @!p0 $0x1C02  }
0xd5: {  	[timem:s3], [sflag:s2] =	dma.local @!p0 [hbm:s0], s1  }
0xd6: {  	s0 =	simm.s32 @!p0 $0x2  }
0xd7: {  	_ =	swait.ge @!p0 [sflag:s0], s1  }
0xd8: {  	s1 =	ssub.s32 @!p0 $0x0, s1;
	[sflag:s0] =	ssyncset.done @!p0 $0x0  }
0xd9: {  	[sflag:s0] =	ssyncadd.s32 @!p0 s1  }
0xda: {  	[bflag:$0x3] =	sbarrier.arrive $0xFFFF  }
0xdb: {  	_ =	shalt  }

</sc_bundles>
